<compile_context>
chip_gen: v7x
topology: tpu7x:2x2x1
jax: 0.10.2.dev20260603
libtpu: 0.0.44.dev20260713+nightly
codegen_flags: <defaults>
</compile_context>

<pallas_src>
import functools
import math

import jax
import jax.numpy as jnp
from jax import lax
from jax.experimental import pallas as pl
from jax.experimental.pallas import tpu as pltpu
from jax.experimental.pallas import tpu_sc as plsc

NTIPS = 512
HID = 256
BS = 16
NNODES = 2 * NTIPS - 2
DIM = NTIPS - 2
NPAD = 1024
TOL = 1e-5
MAX_ITERS = 10000


def _stage_a(idx_ref, pidx_ref, w1t_ref, w1b_ref,
             xt_ref, g_ref, pflat_ref):
    f32 = jnp.float32
    bf = jnp.bfloat16
    idxs = idx_ref[0]
    cols = lax.broadcasted_iota(jnp.int32, (NTIPS, NPAD), 1)
    cnt = jnp.zeros((NTIPS, NPAD), f32)
    for k in range(3):
        cnt = cnt + (idxs[:, k:k + 1] == cols).astype(f32)
    Kc = cnt[:, :NTIPS]
    K = cnt[:, NTIPS:]
    Kb = K.astype(bf)
    B2 = jnp.dot(Kb, Kb, preferred_element_type=f32) * (1.0 / 9.0)
    C2 = (Kc * (1.0 / 3.0)
          + jnp.dot(Kb, Kc.astype(bf), preferred_element_type=f32) * (1.0 / 9.0))

    X0 = jnp.full((NTIPS, NTIPS), 1.0 / NTIPS, f32)

    def cond_fn(carry):
        i, _, ln = carry
        return (i < MAX_ITERS) & (ln > TOL)

    def body_fn(carry):
        i, X, _ = carry
        X1 = C2 + jnp.dot(B2, X, preferred_element_type=f32)
        X2 = C2 + jnp.dot(B2, X1, preferred_element_type=f32)
        ln = jnp.sum(jnp.abs(X2 - X1)) * (1.0 / (DIM * NTIPS))
        return i + 4, X2, ln

    _, X, _ = lax.while_loop(
        cond_fn, body_fn, (jnp.int32(0), X0, jnp.float32(jnp.inf)))

    w1t = w1t_ref[...]
    w1b = w1b_ref[...]
    Xb = X.astype(bf)
    XT = jnp.dot(Xb, w1t.astype(bf), preferred_element_type=f32)
    XB = jnp.dot(Xb, w1b.astype(bf), preferred_element_type=f32)
    xt_ref[0] = XT
    g_ref[...] = jnp.concatenate([w1b, XB], axis=0)
    b = pl.program_id(0)
    pflat_ref[0] = pidx_ref[0] + b * NPAD


def _sc_gather(g_hbm, idx_hbm, out_hbm, idx_v, rows_v, sem):
    c = lax.axis_index("c")
    s = lax.axis_index("s")
    wid = s * 2 + c
    pltpu.sync_copy(idx_hbm.at[pl.ds(wid * 4, 4)], idx_v)
    for ch in range(4):
        pltpu.async_copy(g_hbm.at[idx_v.at[ch]], rows_v, sem).wait()
        pltpu.sync_copy(rows_v,
                        out_hbm.at[pl.ds(wid * 512 + ch * 128, 128)])


def _stage_c(xt_ref, ph_ref, w1t_ref, b1_ref, w2_ref, b2_ref, eps_ref,
             samp_ref, logq_ref):
    f32 = jnp.float32
    childH = jnp.concatenate([w1t_ref[...], xt_ref[0]], axis=0)
    H = childH + ph_ref[...] + b1_ref[...]
    Hact = jnp.where(H > 0, H, jnp.exp(jnp.minimum(H, 0.0)) - 1.0)
    out2 = jnp.dot(Hact, w2_ref[...], preferred_element_type=f32) + b2_ref[...]
    out2t = jnp.transpose(out2)
    mean = out2t[0:1, :]
    colmask = (lax.broadcasted_iota(jnp.int32, (1, NPAD), 1)
               < (NNODES - 1)).astype(f32)
    std = out2t[1:2, :] * colmask
    eps = eps_ref[0]
    samp_ref[0] = eps * jnp.exp(std) + mean - 2.0
    logq0 = jnp.sum((-0.5 * math.log(2 * math.pi) - 0.5 * eps * eps) * colmask)
    logq_ref[0] = jnp.full((1, 128), logq0 - jnp.sum(std), f32)


@jax.jit
def kernel(edge_index, W1m, b1m, W2m, b2m, W1s, b1s, W2s, b2s):
    f32 = jnp.float32
    bs = edge_index.shape[0]
    idx_fix = edge_index[:, NTIPS:, :]
    idx_fix = jnp.pad(idx_fix, ((0, 0), (0, NTIPS - DIM), (0, 0)))
    p_idx = edge_index[:, :NNODES - 1, 0]
    p_idx = jnp.pad(p_idx, ((0, 0), (0, NPAD - (NNODES - 1))))[:, None, :]

    W1 = jnp.concatenate([W1m, W1s], axis=1)
    W1_top = W1[:NTIPS]
    W1_bot = W1[NTIPS:]
    b1 = jnp.concatenate([b1m, b1s])[None, :]
    W2 = jnp.zeros((2 * HID, 2), f32)
    W2 = W2.at[:HID, 0].set(W2m[:, 0]).at[HID:, 1].set(W2s[:, 0])
    b2 = jnp.stack([b2m[0], b2s[0]])[None, :]

    eps = jax.random.normal(jax.random.key(42), (bs, NNODES - 1), dtype=f32)
    eps_p = jnp.pad(eps, ((0, 0), (0, NPAD - (NNODES - 1))))[:, None, :]

    xt, gflat, pflat = pl.pallas_call(
        _stage_a,
        grid=(bs,),
        in_specs=[
            pl.BlockSpec((1, NTIPS, 3), lambda b: (b, 0, 0)),
            pl.BlockSpec((1, 1, NPAD), lambda b: (b, 0, 0)),
            pl.BlockSpec((NTIPS, NTIPS), lambda b: (0, 0)),
            pl.BlockSpec((NTIPS, NTIPS), lambda b: (0, 0)),
        ],
        out_specs=[
            pl.BlockSpec((1, NTIPS, NTIPS), lambda b: (b, 0, 0)),
            pl.BlockSpec((NPAD, NTIPS), lambda b: (b, 0)),
            pl.BlockSpec((1, 1, NPAD), lambda b: (b, 0, 0)),
        ],
        out_shape=[
            jax.ShapeDtypeStruct((bs, NTIPS, NTIPS), f32),
            jax.ShapeDtypeStruct((bs * NPAD, NTIPS), f32),
            jax.ShapeDtypeStruct((bs, 1, NPAD), jnp.int32),
        ],
    )(idx_fix, p_idx, W1_top, W1_bot)

    pidx128 = pflat.reshape(128, 128)

    mesh = plsc.VectorSubcoreMesh(core_axis_name="c", subcore_axis_name="s")
    sc_gather = functools.partial(
        pl.kernel,
        mesh=mesh,
        out_type=jax.ShapeDtypeStruct((bs * NPAD, NTIPS), f32),
        scratch_types=[
            pltpu.VMEM((4, 128), jnp.int32),
            pltpu.VMEM((128, NTIPS), f32),
            pltpu.SemaphoreType.DMA,
        ],
    )(_sc_gather)
    parentH = sc_gather(gflat, pidx128)

    samp_out, logq_out = pl.pallas_call(
        _stage_c,
        grid=(bs,),
        in_specs=[
            pl.BlockSpec((1, NTIPS, NTIPS), lambda b: (b, 0, 0)),
            pl.BlockSpec((NPAD, NTIPS), lambda b: (b, 0)),
            pl.BlockSpec((NTIPS, NTIPS), lambda b: (0, 0)),
            pl.BlockSpec((1, 2 * HID), lambda b: (0, 0)),
            pl.BlockSpec((2 * HID, 2), lambda b: (0, 0)),
            pl.BlockSpec((1, 2), lambda b: (0, 0)),
            pl.BlockSpec((1, 1, NPAD), lambda b: (b, 0, 0)),
        ],
        out_specs=[
            pl.BlockSpec((1, 1, NPAD), lambda b: (b, 0, 0)),
            pl.BlockSpec((1, 1, 128), lambda b: (b, 0, 0)),
        ],
        out_shape=[
            jax.ShapeDtypeStruct((bs, 1, NPAD), f32),
            jax.ShapeDtypeStruct((bs, 1, 128), f32),
        ],
    )(xt, parentH, W1_top, b1, W2, b2, eps_p)

    samp_log_branch = samp_out[:, 0, :NNODES - 1]
    logq_branch = logq_out[:, 0, 0]
    return samp_log_branch, logq_branch

# --- scband reference (transcript-rebuilt; emitter-appended) ---
"""Pipeline reference for scband-gnn-branch-model-70935679861201 (READ-ONLY COPY).

The authoritative reference and input builder live on the scoring server;
editing this copy changes nothing except your own understanding.
"""

import jax, jax.numpy as jnp
import numpy as np
import math

NTIPS = 512
HID = 256
BS = 16
NNODES = 2 * NTIPS - 2


def setup_inputs(seed: int = 0) -> dict:
    key = jax.random.key(seed)
    ks = jax.random.split(key, 10)
    edge_index = jax.random.randint(ks[0], (BS, NNODES, 3), 0, NNODES, dtype=jnp.int32)
    # MeanStdPooling params: in_features = ntips (identity gnn), hidden = cfg.hidden_dim
    W1m = jax.random.normal(ks[1], (2 * NTIPS, HID), dtype=jnp.float32) * 0.05
    b1m = jnp.zeros((HID,), dtype=jnp.float32)
    W2m = jax.random.normal(ks[2], (HID, 1), dtype=jnp.float32) * 0.05
    b2m = jnp.zeros((1,), dtype=jnp.float32)
    W1s = jax.random.normal(ks[3], (2 * NTIPS, HID), dtype=jnp.float32) * 0.05
    b1s = jnp.zeros((HID,), dtype=jnp.float32)
    W2s = jax.random.normal(ks[4], (HID, 1), dtype=jnp.float32) * 0.05
    b2s = jnp.zeros((1,), dtype=jnp.float32)
    return {"edge_index": edge_index, "W1m": W1m, "b1m": b1m, "W2m": W2m, "b2m": b2m,
            "W1s": W1s, "b1s": b1s, "W2s": W2s, "b2s": b2s}


def fixpoint(edge_index, tol=1e-05, max_iters=10000):
    bs = edge_index.shape[0]
    nf, dim = NTIPS, NTIPS - 2
    X = jnp.ones((bs, dim, nf), dtype=jnp.float32) / nf
    identity = jnp.broadcast_to(jnp.eye(nf, dtype=jnp.float32)[None], (bs, nf, nf))
    idx = edge_index[:, nf:].reshape(bs, -1)[:, :, None]

    def cond_fn(carry):
        i, X, Lnorm = carry
        return (i < max_iters) & jnp.any(Lnorm > tol)

    def body_fn(carry):
        i, X, _ = carry
        X_old = X
        allf = jnp.concatenate([identity, X], axis=1)
        neigh = jnp.take_along_axis(allf, idx, axis=1).reshape(bs, dim, 3, nf)
        X_new = jnp.mean(neigh, axis=2)
        Lnorm = jnp.mean(jnp.abs(X_new - X_old), axis=(1, 2))
        return i + 1, X_new, Lnorm

    init_Lnorm = jnp.full((bs,), jnp.inf, dtype=jnp.float32)
    _, X, _ = jax.lax.while_loop(cond_fn, body_fn, (jnp.int32(0), X, init_Lnorm))
    return jnp.concatenate([identity, X], axis=1)


def reference(edge_index, W1m, b1m, W2m, b2m, W1s, b1s, W2s, b2s):
    bs, nnodes, _ = edge_index.shape
    node_features = fixpoint(edge_index)  # (bs, nnodes, ntips)
    offset = jnp.arange(bs, dtype=edge_index.dtype)[:, None, None] * nnodes
    compact_edge_index = jnp.where(edge_index > -1, edge_index + offset, -1)
    parent_index = compact_edge_index[:, :-1, 0].reshape(-1)
    # gnn_type == 'identity' -> IDConv is a no-op on node features
    flat = node_features.reshape(-1, NTIPS)
    child = node_features[:, :-1, :].reshape(-1, NTIPS)
    parent = jnp.take(flat, parent_index, axis=0)
    feat = jnp.concatenate([child, parent], axis=-1)
    mean = (jax.nn.elu(feat @ W1m + b1m) @ W2m + b2m).squeeze(-1).reshape(bs, nnodes - 1)
    std = (jax.nn.elu(feat @ W1s + b1s) @ W2s + b2s).squeeze(-1).reshape(bs, nnodes - 1)
    eps = jax.random.normal(jax.random.key(42), (bs, 2 * NTIPS - 3), dtype=jnp.float32)
    logq0 = jnp.sum(-0.5 * math.log(2 * math.pi) - 0.5 * eps ** 2, -1)
    samp_log_branch = eps * jnp.exp(std) + mean - 2.0
    logq_branch = logq0 - jnp.sum(std, -1)
    return samp_log_branch, logq_branch

if __name__ == "__main__":
    import jax
    _d = setup_inputs()
    print(jax.jit(kernel)(*tuple(_d.values())))

</pallas_src>

<mosaic_0001>
#map = affine_map<(d0, d1) -> (0, 0)>
module attributes {stable_mosaic.version = 14 : i64} {
  func.func @_sc_gather(%arg0: i32, %arg1: i32, %arg2: memref<16384x512xf32, #tpu.memory_space<hbm>>, %arg3: memref<128x128xi32, #tpu.memory_space<hbm>>, %arg4: memref<16384x512xf32, #tpu.memory_space<hbm>>, %arg5: memref<4x128xi32, #tpu.memory_space<vmem>>, %arg6: memref<128x512xf32, #tpu.memory_space<vmem>>, %arg7: memref<!tpu.dma_semaphore, #tpu.memory_space<semaphore_mem>>) attributes {dimension_semantics = [#tpu.dimension_semantics<core_parallel>, #tpu.dimension_semantics<subcore_parallel>], iteration_bounds = array<i64: 2, 16>, scalar_prefetch = 0 : i64, scratch_operands = 3 : i64, tpu.core_type = #tpu.core_type<sc_vector_subcore>, window_params = [{transform_indices = #map}, {transform_indices = #map}, {transform_indices = #map}]} {
    %mul3A = arith.constant 2 : i32
    %mul3A_0 = arith.muli %arg1, %mul3A : i32
    %add3A = arith.addi %mul3A_0, %arg0 : i32
    %mul3A_1 = arith.constant 4 : i32
    %mul3A_2 = arith.muli %add3A, %mul3A_1 : i32
    "tpu.region"() ({
      %run_scoped3A = tpu.sem_alloc : memref<!tpu.dma_semaphore, #tpu.memory_space<semaphore_mem>>
      %dma_start3A_73 = arith.constant 0 : i32
      %dma_start3A_74 = tpu.memref_slice %arg3[%mul3A_2, %dma_start3A_73] : memref<128x128xi32, #tpu.memory_space<hbm>> -> memref<4x128xi32, #tpu.memory_space<hbm>>
      %dma_start3A_75 = arith.constant 0 : i32
      %dma_start3A_76 = tpu.memref_slice %arg3[%mul3A_2, %dma_start3A_75] : memref<128x128xi32, #tpu.memory_space<hbm>> -> memref<4x128xi32, #tpu.memory_space<hbm>>
      tpu.enqueue_dma source(%dma_start3A_76 : memref<4x128xi32, #tpu.memory_space<hbm>>) target(%arg5 : memref<4x128xi32, #tpu.memory_space<vmem>>) target_semaphore(%run_scoped3A : memref<!tpu.dma_semaphore, #tpu.memory_space<semaphore_mem>>)
      %dma_wait3A_77 = arith.constant 0 : i32
      %dma_wait3A_78 = tpu.memref_slice %arg3[%mul3A_2, %dma_wait3A_77] : memref<128x128xi32, #tpu.memory_space<hbm>> -> memref<4x128xi32, #tpu.memory_space<hbm>>
      %dma_wait3A_79 = arith.constant 0 : i32
      %dma_wait3A_80 = tpu.memref_slice %arg3[%mul3A_2, %dma_wait3A_79] : memref<128x128xi32, #tpu.memory_space<hbm>> -> memref<4x128xi32, #tpu.memory_space<hbm>>
      tpu.wait_dma2 semaphore(%run_scoped3A : memref<!tpu.dma_semaphore, #tpu.memory_space<semaphore_mem>>) src(%dma_wait3A_80 : memref<4x128xi32, #tpu.memory_space<hbm>>) dst(%arg5 : memref<4x128xi32, #tpu.memory_space<vmem>>)
      tpu.yield
    }) : () -> ()
    %dma_start3A = arith.constant 0 : i32
    %dma_start3A_3 = arith.constant 0 : i32
    %dma_start3A_4 = tpu.memref_slice %arg5[%dma_start3A, %dma_start3A_3] : memref<4x128xi32, #tpu.memory_space<vmem>> -> memref<1x128xi32, #tpu.memory_space<vmem>>
    %dma_start3A_5 = tpu.memref_squeeze %dma_start3A_4 : memref<1x128xi32, #tpu.memory_space<vmem>> -> memref<128xi32, #tpu.memory_space<vmem>>
    %dma_start3A_6 = arith.constant 0 : i32
    %dma_start3A_7 = arith.constant 0 : i32
    %dma_start3A_8 = tpu.memref_slice %arg2[%dma_start3A_6, %dma_start3A_7] : memref<16384x512xf32, #tpu.memory_space<hbm>> -> memref<16384x512xf32, #tpu.memory_space<hbm>>
    tpu.enqueue_indirect_dma source(%dma_start3A_8 : memref<16384x512xf32, #tpu.memory_space<hbm>>) target(%arg6 : memref<128x512xf32, #tpu.memory_space<vmem>>) offsets(%dma_start3A_5 : memref<128xi32, #tpu.memory_space<vmem>>) semaphore(%arg7 : memref<!tpu.dma_semaphore, #tpu.memory_space<semaphore_mem>>)
    %dma_wait3A = arith.constant 0 : i32
    %dma_wait3A_9 = arith.constant 0 : i32
    %dma_wait3A_10 = tpu.memref_slice %arg5[%dma_wait3A, %dma_wait3A_9] : memref<4x128xi32, #tpu.memory_space<vmem>> -> memref<1x128xi32, #tpu.memory_space<vmem>>
    %dma_wait3A_11 = tpu.memref_squeeze %dma_wait3A_10 : memref<1x128xi32, #tpu.memory_space<vmem>> -> memref<128xi32, #tpu.memory_space<vmem>>
    %dma_wait3A_12 = arith.constant 0 : i32
    %dma_wait3A_13 = arith.constant 0 : i32
    %dma_wait3A_14 = tpu.memref_slice %arg2[%dma_wait3A_12, %dma_wait3A_13] : memref<16384x512xf32, #tpu.memory_space<hbm>> -> memref<16384x512xf32, #tpu.memory_space<hbm>>
    tpu.wait_indirect_dma semaphore(%arg7 : memref<!tpu.dma_semaphore, #tpu.memory_space<semaphore_mem>>) src(%dma_wait3A_14 : memref<16384x512xf32, #tpu.memory_space<hbm>>) dst(%arg6 : memref<128x512xf32, #tpu.memory_space<vmem>>)
    %mul3A_15 = arith.constant 512 : i32
    %mul3A_16 = arith.muli %add3A, %mul3A_15 : i32
    %add3A_17 = arith.constant 0 : i32
    %add3A_18 = arith.addi %mul3A_16, %add3A_17 : i32
    "tpu.region"() ({
      %run_scoped3A = tpu.sem_alloc : memref<!tpu.dma_semaphore, #tpu.memory_space<semaphore_mem>>
      %dma_start3A_73 = arith.constant 0 : i32
      %dma_start3A_74 = tpu.memref_slice %arg4[%add3A_18, %dma_start3A_73] : memref<16384x512xf32, #tpu.memory_space<hbm>> -> memref<128x512xf32, #tpu.memory_space<hbm>>
      %dma_start3A_75 = arith.constant 0 : i32
      %dma_start3A_76 = tpu.memref_slice %arg4[%add3A_18, %dma_start3A_75] : memref<16384x512xf32, #tpu.memory_space<hbm>> -> memref<128x512xf32, #tpu.memory_space<hbm>>
      tpu.enqueue_dma source(%arg6 : memref<128x512xf32, #tpu.memory_space<vmem>>) target(%dma_start3A_76 : memref<128x512xf32, #tpu.memory_space<hbm>>) target_semaphore(%run_scoped3A : memref<!tpu.dma_semaphore, #tpu.memory_space<semaphore_mem>>)
      %dma_wait3A_77 = arith.constant 0 : i32
      %dma_wait3A_78 = tpu.memref_slice %arg4[%add3A_18, %dma_wait3A_77] : memref<16384x512xf32, #tpu.memory_space<hbm>> -> memref<128x512xf32, #tpu.memory_space<hbm>>
      %dma_wait3A_79 = arith.constant 0 : i32
      %dma_wait3A_80 = tpu.memref_slice %arg4[%add3A_18, %dma_wait3A_79] : memref<16384x512xf32, #tpu.memory_space<hbm>> -> memref<128x512xf32, #tpu.memory_space<hbm>>
      tpu.wait_dma2 semaphore(%run_scoped3A : memref<!tpu.dma_semaphore, #tpu.memory_space<semaphore_mem>>) src(%arg6 : memref<128x512xf32, #tpu.memory_space<vmem>>) dst(%dma_wait3A_80 : memref<128x512xf32, #tpu.memory_space<hbm>>)
      tpu.yield
    }) : () -> ()
    %dma_start3A_19 = arith.constant 1 : i32
    %dma_start3A_20 = arith.constant 0 : i32
    %dma_start3A_21 = tpu.memref_slice %arg5[%dma_start3A_19, %dma_start3A_20] : memref<4x128xi32, #tpu.memory_space<vmem>> -> memref<1x128xi32, #tpu.memory_space<vmem>>
    %dma_start3A_22 = tpu.memref_squeeze %dma_start3A_21 : memref<1x128xi32, #tpu.memory_space<vmem>> -> memref<128xi32, #tpu.memory_space<vmem>>
    %dma_start3A_23 = arith.constant 0 : i32
    %dma_start3A_24 = arith.constant 0 : i32
    %dma_start3A_25 = tpu.memref_slice %arg2[%dma_start3A_23, %dma_start3A_24] : memref<16384x512xf32, #tpu.memory_space<hbm>> -> memref<16384x512xf32, #tpu.memory_space<hbm>>
    tpu.enqueue_indirect_dma source(%dma_start3A_25 : memref<16384x512xf32, #tpu.memory_space<hbm>>) target(%arg6 : memref<128x512xf32, #tpu.memory_space<vmem>>) offsets(%dma_start3A_22 : memref<128xi32, #tpu.memory_space<vmem>>) semaphore(%arg7 : memref<!tpu.dma_semaphore, #tpu.memory_space<semaphore_mem>>)
    %dma_wait3A_26 = arith.constant 1 : i32
    %dma_wait3A_27 = arith.constant 0 : i32
    %dma_wait3A_28 = tpu.memref_slice %arg5[%dma_wait3A_26, %dma_wait3A_27] : memref<4x128xi32, #tpu.memory_space<vmem>> -> memref<1x128xi32, #tpu.memory_space<vmem>>
    %dma_wait3A_29 = tpu.memref_squeeze %dma_wait3A_28 : memref<1x128xi32, #tpu.memory_space<vmem>> -> memref<128xi32, #tpu.memory_space<vmem>>
    %dma_wait3A_30 = arith.constant 0 : i32
    %dma_wait3A_31 = arith.constant 0 : i32
    %dma_wait3A_32 = tpu.memref_slice %arg2[%dma_wait3A_30, %dma_wait3A_31] : memref<16384x512xf32, #tpu.memory_space<hbm>> -> memref<16384x512xf32, #tpu.memory_space<hbm>>
    tpu.wait_indirect_dma semaphore(%arg7 : memref<!tpu.dma_semaphore, #tpu.memory_space<semaphore_mem>>) src(%dma_wait3A_32 : memref<16384x512xf32, #tpu.memory_space<hbm>>) dst(%arg6 : memref<128x512xf32, #tpu.memory_space<vmem>>)
    %mul3A_33 = arith.constant 512 : i32
    %mul3A_34 = arith.muli %add3A, %mul3A_33 : i32
    %add3A_35 = arith.constant 128 : i32
    %add3A_36 = arith.addi %mul3A_34, %add3A_35 : i32
    "tpu.region"() ({
      %run_scoped3A = tpu.sem_alloc : memref<!tpu.dma_semaphore, #tpu.memory_space<semaphore_mem>>
      %dma_start3A_73 = arith.constant 0 : i32
      %dma_start3A_74 = tpu.memref_slice %arg4[%add3A_36, %dma_start3A_73] : memref<16384x512xf32, #tpu.memory_space<hbm>> -> memref<128x512xf32, #tpu.memory_space<hbm>>
      %dma_start3A_75 = arith.constant 0 : i32
      %dma_start3A_76 = tpu.memref_slice %arg4[%add3A_36, %dma_start3A_75] : memref<16384x512xf32, #tpu.memory_space<hbm>> -> memref<128x512xf32, #tpu.memory_space<hbm>>
      tpu.enqueue_dma source(%arg6 : memref<128x512xf32, #tpu.memory_space<vmem>>) target(%dma_start3A_76 : memref<128x512xf32, #tpu.memory_space<hbm>>) target_semaphore(%run_scoped3A : memref<!tpu.dma_semaphore, #tpu.memory_space<semaphore_mem>>)
      %dma_wait3A_77 = arith.constant 0 : i32
      %dma_wait3A_78 = tpu.memref_slice %arg4[%add3A_36, %dma_wait3A_77] : memref<16384x512xf32, #tpu.memory_space<hbm>> -> memref<128x512xf32, #tpu.memory_space<hbm>>
      %dma_wait3A_79 = arith.constant 0 : i32
      %dma_wait3A_80 = tpu.memref_slice %arg4[%add3A_36, %dma_wait3A_79] : memref<16384x512xf32, #tpu.memory_space<hbm>> -> memref<128x512xf32, #tpu.memory_space<hbm>>
      tpu.wait_dma2 semaphore(%run_scoped3A : memref<!tpu.dma_semaphore, #tpu.memory_space<semaphore_mem>>) src(%arg6 : memref<128x512xf32, #tpu.memory_space<vmem>>) dst(%dma_wait3A_80 : memref<128x512xf32, #tpu.memory_space<hbm>>)
      tpu.yield
    }) : () -> ()
    %dma_start3A_37 = arith.constant 2 : i32
    %dma_start3A_38 = arith.constant 0 : i32
    %dma_start3A_39 = tpu.memref_slice %arg5[%dma_start3A_37, %dma_start3A_38] : memref<4x128xi32, #tpu.memory_space<vmem>> -> memref<1x128xi32, #tpu.memory_space<vmem>>
    %dma_start3A_40 = tpu.memref_squeeze %dma_start3A_39 : memref<1x128xi32, #tpu.memory_space<vmem>> -> memref<128xi32, #tpu.memory_space<vmem>>
    %dma_start3A_41 = arith.constant 0 : i32
    %dma_start3A_42 = arith.constant 0 : i32
    %dma_start3A_43 = tpu.memref_slice %arg2[%dma_start3A_41, %dma_start3A_42] : memref<16384x512xf32, #tpu.memory_space<hbm>> -> memref<16384x512xf32, #tpu.memory_space<hbm>>
    tpu.enqueue_indirect_dma source(%dma_start3A_43 : memref<16384x512xf32, #tpu.memory_space<hbm>>) target(%arg6 : memref<128x512xf32, #tpu.memory_space<vmem>>) offsets(%dma_start3A_40 : memref<128xi32, #tpu.memory_space<vmem>>) semaphore(%arg7 : memref<!tpu.dma_semaphore, #tpu.memory_space<semaphore_mem>>)
    %dma_wait3A_44 = arith.constant 2 : i32
    %dma_wait3A_45 = arith.constant 0 : i32
    %dma_wait3A_46 = tpu.memref_slice %arg5[%dma_wait3A_44, %dma_wait3A_45] : memref<4x128xi32, #tpu.memory_space<vmem>> -> memref<1x128xi32, #tpu.memory_space<vmem>>
    %dma_wait3A_47 = tpu.memref_squeeze %dma_wait3A_46 : memref<1x128xi32, #tpu.memory_space<vmem>> -> memref<128xi32, #tpu.memory_space<vmem>>
    %dma_wait3A_48 = arith.constant 0 : i32
    %dma_wait3A_49 = arith.constant 0 : i32
    %dma_wait3A_50 = tpu.memref_slice %arg2[%dma_wait3A_48, %dma_wait3A_49] : memref<16384x512xf32, #tpu.memory_space<hbm>> -> memref<16384x512xf32, #tpu.memory_space<hbm>>
    tpu.wait_indirect_dma semaphore(%arg7 : memref<!tpu.dma_semaphore, #tpu.memory_space<semaphore_mem>>) src(%dma_wait3A_50 : memref<16384x512xf32, #tpu.memory_space<hbm>>) dst(%arg6 : memref<128x512xf32, #tpu.memory_space<vmem>>)
    %mul3A_51 = arith.constant 512 : i32
    %mul3A_52 = arith.muli %add3A, %mul3A_51 : i32
    %add3A_53 = arith.constant 256 : i32
    %add3A_54 = arith.addi %mul3A_52, %add3A_53 : i32
    "tpu.region"() ({
      %run_scoped3A = tpu.sem_alloc : memref<!tpu.dma_semaphore, #tpu.memory_space<semaphore_mem>>
      %dma_start3A_73 = arith.constant 0 : i32
      %dma_start3A_74 = tpu.memref_slice %arg4[%add3A_54, %dma_start3A_73] : memref<16384x512xf32, #tpu.memory_space<hbm>> -> memref<128x512xf32, #tpu.memory_space<hbm>>
      %dma_start3A_75 = arith.constant 0 : i32
      %dma_start3A_76 = tpu.memref_slice %arg4[%add3A_54, %dma_start3A_75] : memref<16384x512xf32, #tpu.memory_space<hbm>> -> memref<128x512xf32, #tpu.memory_space<hbm>>
      tpu.enqueue_dma source(%arg6 : memref<128x512xf32, #tpu.memory_space<vmem>>) target(%dma_start3A_76 : memref<128x512xf32, #tpu.memory_space<hbm>>) target_semaphore(%run_scoped3A : memref<!tpu.dma_semaphore, #tpu.memory_space<semaphore_mem>>)
      %dma_wait3A_77 = arith.constant 0 : i32
      %dma_wait3A_78 = tpu.memref_slice %arg4[%add3A_54, %dma_wait3A_77] : memref<16384x512xf32, #tpu.memory_space<hbm>> -> memref<128x512xf32, #tpu.memory_space<hbm>>
      %dma_wait3A_79 = arith.constant 0 : i32
      %dma_wait3A_80 = tpu.memref_slice %arg4[%add3A_54, %dma_wait3A_79] : memref<16384x512xf32, #tpu.memory_space<hbm>> -> memref<128x512xf32, #tpu.memory_space<hbm>>
      tpu.wait_dma2 semaphore(%run_scoped3A : memref<!tpu.dma_semaphore, #tpu.memory_space<semaphore_mem>>) src(%arg6 : memref<128x512xf32, #tpu.memory_space<vmem>>) dst(%dma_wait3A_80 : memref<128x512xf32, #tpu.memory_space<hbm>>)
      tpu.yield
    }) : () -> ()
    %dma_start3A_55 = arith.constant 3 : i32
    %dma_start3A_56 = arith.constant 0 : i32
    %dma_start3A_57 = tpu.memref_slice %arg5[%dma_start3A_55, %dma_start3A_56] : memref<4x128xi32, #tpu.memory_space<vmem>> -> memref<1x128xi32, #tpu.memory_space<vmem>>
    %dma_start3A_58 = tpu.memref_squeeze %dma_start3A_57 : memref<1x128xi32, #tpu.memory_space<vmem>> -> memref<128xi32, #tpu.memory_space<vmem>>
    %dma_start3A_59 = arith.constant 0 : i32
    %dma_start3A_60 = arith.constant 0 : i32
    %dma_start3A_61 = tpu.memref_slice %arg2[%dma_start3A_59, %dma_start3A_60] : memref<16384x512xf32, #tpu.memory_space<hbm>> -> memref<16384x512xf32, #tpu.memory_space<hbm>>
    tpu.enqueue_indirect_dma source(%dma_start3A_61 : memref<16384x512xf32, #tpu.memory_space<hbm>>) target(%arg6 : memref<128x512xf32, #tpu.memory_space<vmem>>) offsets(%dma_start3A_58 : memref<128xi32, #tpu.memory_space<vmem>>) semaphore(%arg7 : memref<!tpu.dma_semaphore, #tpu.memory_space<semaphore_mem>>)
    %dma_wait3A_62 = arith.constant 3 : i32
    %dma_wait3A_63 = arith.constant 0 : i32
    %dma_wait3A_64 = tpu.memref_slice %arg5[%dma_wait3A_62, %dma_wait3A_63] : memref<4x128xi32, #tpu.memory_space<vmem>> -> memref<1x128xi32, #tpu.memory_space<vmem>>
    %dma_wait3A_65 = tpu.memref_squeeze %dma_wait3A_64 : memref<1x128xi32, #tpu.memory_space<vmem>> -> memref<128xi32, #tpu.memory_space<vmem>>
    %dma_wait3A_66 = arith.constant 0 : i32
    %dma_wait3A_67 = arith.constant 0 : i32
    %dma_wait3A_68 = tpu.memref_slice %arg2[%dma_wait3A_66, %dma_wait3A_67] : memref<16384x512xf32, #tpu.memory_space<hbm>> -> memref<16384x512xf32, #tpu.memory_space<hbm>>
    tpu.wait_indirect_dma semaphore(%arg7 : memref<!tpu.dma_semaphore, #tpu.memory_space<semaphore_mem>>) src(%dma_wait3A_68 : memref<16384x512xf32, #tpu.memory_space<hbm>>) dst(%arg6 : memref<128x512xf32, #tpu.memory_space<vmem>>)
    %mul3A_69 = arith.constant 512 : i32
    %mul3A_70 = arith.muli %add3A, %mul3A_69 : i32
    %add3A_71 = arith.constant 384 : i32
    %add3A_72 = arith.addi %mul3A_70, %add3A_71 : i32
    "tpu.region"() ({
      %run_scoped3A = tpu.sem_alloc : memref<!tpu.dma_semaphore, #tpu.memory_space<semaphore_mem>>
      %dma_start3A_73 = arith.constant 0 : i32
      %dma_start3A_74 = tpu.memref_slice %arg4[%add3A_72, %dma_start3A_73] : memref<16384x512xf32, #tpu.memory_space<hbm>> -> memref<128x512xf32, #tpu.memory_space<hbm>>
      %dma_start3A_75 = arith.constant 0 : i32
      %dma_start3A_76 = tpu.memref_slice %arg4[%add3A_72, %dma_start3A_75] : memref<16384x512xf32, #tpu.memory_space<hbm>> -> memref<128x512xf32, #tpu.memory_space<hbm>>
      tpu.enqueue_dma source(%arg6 : memref<128x512xf32, #tpu.memory_space<vmem>>) target(%dma_start3A_76 : memref<128x512xf32, #tpu.memory_space<hbm>>) target_semaphore(%run_scoped3A : memref<!tpu.dma_semaphore, #tpu.memory_space<semaphore_mem>>)
      %dma_wait3A_77 = arith.constant 0 : i32
      %dma_wait3A_78 = tpu.memref_slice %arg4[%add3A_72, %dma_wait3A_77] : memref<16384x512xf32, #tpu.memory_space<hbm>> -> memref<128x512xf32, #tpu.memory_space<hbm>>
      %dma_wait3A_79 = arith.constant 0 : i32
      %dma_wait3A_80 = tpu.memref_slice %arg4[%add3A_72, %dma_wait3A_79] : memref<16384x512xf32, #tpu.memory_space<hbm>> -> memref<128x512xf32, #tpu.memory_space<hbm>>
      tpu.wait_dma2 semaphore(%run_scoped3A : memref<!tpu.dma_semaphore, #tpu.memory_space<semaphore_mem>>) src(%arg6 : memref<128x512xf32, #tpu.memory_space<vmem>>) dst(%dma_wait3A_80 : memref<128x512xf32, #tpu.memory_space<hbm>>)
      tpu.yield
    }) : () -> ()
    return
  }
}

module attributes {stable_mosaic.version = 14 : i64} {
  func.func @_stage_a(%arg0: i32, %arg1: memref<1x512x3xi32, #tpu.memory_space<vmem>>, %arg2: memref<1x1x1024xi32, #tpu.memory_space<vmem>>, %arg3: memref<512x512xf32, #tpu.memory_space<vmem>>, %arg4: memref<512x512xf32, #tpu.memory_space<vmem>>, %arg5: memref<1x512x512xf32, #tpu.memory_space<vmem>>, %arg6: memref<1024x512xf32, #tpu.memory_space<vmem>>, %arg7: memref<1x1x1024xi32, #tpu.memory_space<vmem>>) attributes {dimension_semantics = [#tpu.dimension_semantics<arbitrary>], iteration_bounds = array<i64: 16>, scalar_prefetch = 0 : i64, scratch_operands = 0 : i64, tpu.core_type = #tpu.core_type<tc>, window_params = [{transform_indices = @transform_0, window_bounds = array<i64: 1, 512, 3>}, {transform_indices = @transform_1, window_bounds = array<i64: 1, 1, 1024>}, {pipeline_mode = #tpu.pipeline_mode<synchronous>, transform_indices = @transform_2, window_bounds = array<i64: 512, 512>}, {pipeline_mode = #tpu.pipeline_mode<synchronous>, transform_indices = @transform_3, window_bounds = array<i64: 512, 512>}, {transform_indices = @transform_4, window_bounds = array<i64: 1, 512, 512>}, {transform_indices = @transform_5, window_bounds = array<i64: 1024, 512>}, {transform_indices = @transform_6, window_bounds = array<i64: 1, 1, 1024>}]} {
    %get3A = arith.constant 0 : index
    %get3A_0 = arith.constant 0 : index
    %get3A_1 = arith.constant 0 : index
    %get3A_2 = vector.load %arg1[%get3A, %get3A_0, %get3A_1] : memref<1x512x3xi32, #tpu.memory_space<vmem>>, vector<1x512x3xi32>
    %get3A_3 = vector.shape_cast %get3A_2 : vector<1x512x3xi32> to vector<512x3xi32>
    %iota3A = tpu.iota {dimensions = array<i32: 1>} : vector<512x1024xi32>
    %broadcast_in_dim3A = arith.constant 0.000000e+00 : f32
    %broadcast_in_dim3A_4 = vector.broadcast %broadcast_in_dim3A : f32 to vector<512x1024xf32>
    %slice3A = vector.extract_strided_slice %get3A_3 {offsets = [0, 0], sizes = [512, 1], strides = [1, 1]} : vector<512x3xi32> to vector<512x1xi32>
    %eq3A = vector.broadcast %slice3A : vector<512x1xi32> to vector<512x1024xi32>
    %eq3A_5 = arith.cmpi eq, %eq3A, %iota3A : vector<512x1024xi32>
    %convert_element_type3A = arith.extui %eq3A_5 : vector<512x1024xi1> to vector<512x1024xi32>
    %convert_element_type3A_6 = arith.sitofp %convert_element_type3A : vector<512x1024xi32> to vector<512x1024xf32>
    %add3A = arith.addf %broadcast_in_dim3A_4, %convert_element_type3A_6 : vector<512x1024xf32>
    %slice3A_7 = vector.extract_strided_slice %get3A_3 {offsets = [0, 1], sizes = [512, 1], strides = [1, 1]} : vector<512x3xi32> to vector<512x1xi32>
    %eq3A_8 = vector.broadcast %slice3A_7 : vector<512x1xi32> to vector<512x1024xi32>
    %eq3A_9 = arith.cmpi eq, %eq3A_8, %iota3A : vector<512x1024xi32>
    %convert_element_type3A_10 = arith.extui %eq3A_9 : vector<512x1024xi1> to vector<512x1024xi32>
    %convert_element_type3A_11 = arith.sitofp %convert_element_type3A_10 : vector<512x1024xi32> to vector<512x1024xf32>
    %add3A_12 = arith.addf %add3A, %convert_element_type3A_11 : vector<512x1024xf32>
    %slice3A_13 = vector.extract_strided_slice %get3A_3 {offsets = [0, 2], sizes = [512, 1], strides = [1, 1]} : vector<512x3xi32> to vector<512x1xi32>
    %eq3A_14 = vector.broadcast %slice3A_13 : vector<512x1xi32> to vector<512x1024xi32>
    %eq3A_15 = arith.cmpi eq, %eq3A_14, %iota3A : vector<512x1024xi32>
    %convert_element_type3A_16 = arith.extui %eq3A_15 : vector<512x1024xi1> to vector<512x1024xi32>
    %convert_element_type3A_17 = arith.sitofp %convert_element_type3A_16 : vector<512x1024xi32> to vector<512x1024xf32>
    %add3A_18 = arith.addf %add3A_12, %convert_element_type3A_17 : vector<512x1024xf32>
    %slice3A_19 = vector.extract_strided_slice %add3A_18 {offsets = [0, 0], sizes = [512, 512], strides = [1, 1]} : vector<512x1024xf32> to vector<512x512xf32>
    %slice3A_20 = vector.extract_strided_slice %add3A_18 {offsets = [0, 512], sizes = [512, 512], strides = [1, 1]} : vector<512x1024xf32> to vector<512x512xf32>
    %convert_element_type3A_21 = arith.truncf %slice3A_20 : vector<512x512xf32> to vector<512x512xbf16>
    %dot_general3A = arith.constant dense<0.000000e+00> : vector<512x512xf32>
    %dot_general3A_22 = tpu.matmul %convert_element_type3A_21, %convert_element_type3A_21, %dot_general3A {dimension_numbers = #tpu.dot_dimension_numbers<[1], [0], [0], [1], [0, 0, 1, 1], [], []>, transpose_lhs_hint = false} : vector<512x512xbf16>, vector<512x512xbf16>, vector<512x512xf32> -> vector<512x512xf32>
    %mul3A = arith.constant 0.111111112 : f32
    %mul3A_23 = vector.broadcast %mul3A : f32 to vector<512x512xf32>
    %mul3A_24 = arith.mulf %dot_general3A_22, %mul3A_23 : vector<512x512xf32>
    %mul3A_25 = arith.constant 0.333333343 : f32
    %mul3A_26 = vector.broadcast %mul3A_25 : f32 to vector<512x512xf32>
    %mul3A_27 = arith.mulf %slice3A_19, %mul3A_26 : vector<512x512xf32>
    %convert_element_type3A_28 = arith.truncf %slice3A_19 : vector<512x512xf32> to vector<512x512xbf16>
    %dot_general3A_29 = arith.constant dense<0.000000e+00> : vector<512x512xf32>
    %dot_general3A_30 = tpu.matmul %convert_element_type3A_21, %convert_element_type3A_28, %dot_general3A_29 {dimension_numbers = #tpu.dot_dimension_numbers<[1], [0], [0], [1], [0, 0, 1, 1], [], []>, transpose_lhs_hint = false} : vector<512x512xbf16>, vector<512x512xbf16>, vector<512x512xf32> -> vector<512x512xf32>
    %mul3A_31 = arith.constant 0.111111112 : f32
    %mul3A_32 = vector.broadcast %mul3A_31 : f32 to vector<512x512xf32>
    %mul3A_33 = arith.mulf %dot_general3A_30, %mul3A_32 : vector<512x512xf32>
    %add3A_34 = arith.addf %mul3A_27, %mul3A_33 : vector<512x512xf32>
    %broadcast_in_dim3A_35 = arith.constant 0.001953125 : f32
    %broadcast_in_dim3A_36 = vector.broadcast %broadcast_in_dim3A_35 : f32 to vector<512x512xf32>
    %while3A = arith.constant 0 : i32
    %while3A_37 = arith.constant 0x7F800000 : f32
    %while3A_38:3 = scf.while (%while3A_75 = %while3A, %while3A_76 = %broadcast_in_dim3A_36, %while3A_77 = %while3A_37) : (i32, vector<512x512xf32>, f32) -> (i32, vector<512x512xf32>, f32) {
      %lt3A = arith.constant 10000 : i32
      %lt3A_78 = arith.cmpi slt, %while3A_75, %lt3A : i32
      %gt3A = arith.constant 9.99999974E-6 : f32
      %gt3A_79 = arith.cmpf ogt, %while3A_77, %gt3A : f32
      %and3A = arith.andi %lt3A_78, %gt3A_79 : i1
      scf.condition(%and3A) %while3A_75, %while3A_76, %while3A_77 : i32, vector<512x512xf32>, f32
    } do {
    ^bb0(%while3A_75: i32, %while3A_76: vector<512x512xf32>, %while3A_77: f32):
      %dot_general3A_78 = arith.constant dense<0.000000e+00> : vector<512x512xf32>
      %dot_general3A_79 = tpu.matmul %mul3A_24, %while3A_76, %dot_general3A_78 {dimension_numbers = #tpu.dot_dimension_numbers<[1], [0], [0], [1], [0, 0, 1, 1], [], []>, transpose_lhs_hint = false} : vector<512x512xf32>, vector<512x512xf32>, vector<512x512xf32> -> vector<512x512xf32>
      %add3A_80 = arith.addf %add3A_34, %dot_general3A_79 : vector<512x512xf32>
      %dot_general3A_81 = arith.constant dense<0.000000e+00> : vector<512x512xf32>
      %dot_general3A_82 = tpu.matmul %mul3A_24, %add3A_80, %dot_general3A_81 {dimension_numbers = #tpu.dot_dimension_numbers<[1], [0], [0], [1], [0, 0, 1, 1], [], []>, transpose_lhs_hint = false} : vector<512x512xf32>, vector<512x512xf32>, vector<512x512xf32> -> vector<512x512xf32>
      %add3A_83 = arith.addf %add3A_34, %dot_general3A_82 : vector<512x512xf32>
      %sub3A = arith.subf %add3A_83, %add3A_80 : vector<512x512xf32>
      %abs3A = math.absf %sub3A : vector<512x512xf32>
      %reduce_sum3A = vector.shape_cast %abs3A : vector<512x512xf32> to vector<1x512x512xf32>
      %reduce_sum3A_84 = arith.constant dense<0.000000e+00> : vector<1xf32>
      %reduce_sum3A_85 = vector.multi_reduction <add>, %reduce_sum3A, %reduce_sum3A_84 [1, 2] : vector<1x512x512xf32> to vector<1xf32>
      %reduce_sum3A_86 = vector.shape_cast %reduce_sum3A_85 : vector<1xf32> to vector<1x1x1xf32>
      %reduce_sum3A_87 = vector.extract %reduce_sum3A_86[0, 0, 0] : f32 from vector<1x1x1xf32>
      %mul3A_88 = arith.constant 3.82965709E-6 : f32
      %mul3A_89 = arith.mulf %reduce_sum3A_87, %mul3A_88 : f32
      %add3A_90 = arith.constant 4 : i32
      %add3A_91 = arith.addi %while3A_75, %add3A_90 : i32
      scf.yield %add3A_91, %add3A_83, %mul3A_89 : i32, vector<512x512xf32>, f32
    }
    %get3A_39 = arith.constant 0 : index
    %get3A_40 = arith.constant 0 : index
    %get3A_41 = vector.load %arg3[%get3A_39, %get3A_40] : memref<512x512xf32, #tpu.memory_space<vmem>>, vector<512x512xf32>
    %get3A_42 = arith.constant 0 : index
    %get3A_43 = arith.constant 0 : index
    %get3A_44 = vector.load %arg4[%get3A_42, %get3A_43] : memref<512x512xf32, #tpu.memory_space<vmem>>, vector<512x512xf32>
    %convert_element_type3A_45 = arith.truncf %while3A_38#1 : vector<512x512xf32> to vector<512x512xbf16>
    %convert_element_type3A_46 = arith.truncf %get3A_41 : vector<512x512xf32> to vector<512x512xbf16>
    %dot_general3A_47 = arith.constant dense<0.000000e+00> : vector<512x512xf32>
    %dot_general3A_48 = tpu.matmul %convert_element_type3A_45, %convert_element_type3A_46, %dot_general3A_47 {dimension_numbers = #tpu.dot_dimension_numbers<[1], [0], [0], [1], [0, 0, 1, 1], [], []>, transpose_lhs_hint = false} : vector<512x512xbf16>, vector<512x512xbf16>, vector<512x512xf32> -> vector<512x512xf32>
    %convert_element_type3A_49 = arith.truncf %get3A_44 : vector<512x512xf32> to vector<512x512xbf16>
    %dot_general3A_50 = arith.constant dense<0.000000e+00> : vector<512x512xf32>
    %dot_general3A_51 = tpu.matmul %convert_element_type3A_45, %convert_element_type3A_49, %dot_general3A_50 {dimension_numbers = #tpu.dot_dimension_numbers<[1], [0], [0], [1], [0, 0, 1, 1], [], []>, transpose_lhs_hint = false} : vector<512x512xbf16>, vector<512x512xbf16>, vector<512x512xf32> -> vector<512x512xf32>
    %swap3A = arith.constant 0 : index
    %swap3A_52 = arith.constant 0 : index
    %swap3A_53 = arith.constant 0 : index
    %swap3A_54 = vector.load %arg5[%swap3A, %swap3A_52, %swap3A_53] : memref<1x512x512xf32, #tpu.memory_space<vmem>>, vector<1x512x512xf32>
    %swap3A_55 = vector.shape_cast %swap3A_54 : vector<1x512x512xf32> to vector<512x512xf32>
    %swap3A_56 = vector.shape_cast %dot_general3A_48 : vector<512x512xf32> to vector<1x512x512xf32>
    tpu.vector_store %arg5[%swap3A, %swap3A_52, %swap3A_53], %swap3A_56 {strides = array<i32>} : memref<1x512x512xf32, #tpu.memory_space<vmem>>, vector<1x512x512xf32>,
    %concatenate3A = tpu.concatenate %get3A_44, %dot_general3A_51 in 0 : vector<512x512xf32>, vector<512x512xf32> -> vector<1024x512xf32>
    %swap3A_57 = arith.constant 0 : index
    %swap3A_58 = arith.constant 0 : index
    %swap3A_59 = vector.load %arg6[%swap3A_57, %swap3A_58] : memref<1024x512xf32, #tpu.memory_space<vmem>>, vector<1024x512xf32>
    tpu.vector_store %arg6[%swap3A_57, %swap3A_58], %concatenate3A {strides = array<i32>} : memref<1024x512xf32, #tpu.memory_space<vmem>>, vector<1024x512xf32>,
    %get3A_60 = arith.constant 0 : index
    %get3A_61 = arith.constant 0 : index
    %get3A_62 = arith.constant 0 : index
    %get3A_63 = vector.load %arg2[%get3A_60, %get3A_61, %get3A_62] : memref<1x1x1024xi32, #tpu.memory_space<vmem>>, vector<1x1x1024xi32>
    %get3A_64 = vector.shape_cast %get3A_63 : vector<1x1x1024xi32> to vector<1x1024xi32>
    %mul3A_65 = arith.constant 1024 : i32
    %mul3A_66 = arith.muli %arg0, %mul3A_65 : i32
    %add3A_67 = vector.broadcast %mul3A_66 : i32 to vector<1x1024xi32>
    %add3A_68 = arith.addi %get3A_64, %add3A_67 : vector<1x1024xi32>
    %swap3A_69 = arith.constant 0 : index
    %swap3A_70 = arith.constant 0 : index
    %swap3A_71 = arith.constant 0 : index
    %swap3A_72 = vector.load %arg7[%swap3A_69, %swap3A_70, %swap3A_71] : memref<1x1x1024xi32, #tpu.memory_space<vmem>>, vector<1x1x1024xi32>
    %swap3A_73 = vector.shape_cast %swap3A_72 : vector<1x1x1024xi32> to vector<1x1024xi32>
    %swap3A_74 = vector.shape_cast %add3A_68 : vector<1x1024xi32> to vector<1x1x1024xi32>
    tpu.vector_store %arg7[%swap3A_69, %swap3A_70, %swap3A_71], %swap3A_74 {strides = array<i32>} : memref<1x1x1024xi32, #tpu.memory_space<vmem>>, vector<1x1x1024xi32>,
    return
  }
  func.func @transform_0(%arg0: i32) -> (i32, i32, i32) {
    %c0_i32 = arith.constant 0 : i32
    %c0_i32_0 = arith.constant 0 : i32
    %c0_i32_1 = arith.constant 0 : i32
    return %arg0, %c0_i32, %c0_i32_0 : i32, i32, i32
  }
  func.func @transform_1(%arg0: i32) -> (i32, i32, i32) {
    %c0_i32 = arith.constant 0 : i32
    %c0_i32_0 = arith.constant 0 : i32
    %c0_i32_1 = arith.constant 0 : i32
    return %arg0, %c0_i32, %c0_i32_0 : i32, i32, i32
  }
  func.func @transform_2(%arg0: i32) -> (i32, i32) {
    %c0_i32 = arith.constant 0 : i32
    %c0_i32_0 = arith.constant 0 : i32
    %c0_i32_1 = arith.constant 0 : i32
    return %c0_i32, %c0_i32_0 : i32, i32
  }
  func.func @transform_3(%arg0: i32) -> (i32, i32) {
    %c0_i32 = arith.constant 0 : i32
    %c0_i32_0 = arith.constant 0 : i32
    %c0_i32_1 = arith.constant 0 : i32
    return %c0_i32, %c0_i32_0 : i32, i32
  }
  func.func @transform_4(%arg0: i32) -> (i32, i32, i32) {
    %c0_i32 = arith.constant 0 : i32
    %c0_i32_0 = arith.constant 0 : i32
    %c0_i32_1 = arith.constant 0 : i32
    return %arg0, %c0_i32, %c0_i32_0 : i32, i32, i32
  }
  func.func @transform_5(%arg0: i32) -> (i32, i32) {
    %c0_i32 = arith.constant 0 : i32
    %c0_i32_0 = arith.constant 0 : i32
    return %arg0, %c0_i32 : i32, i32
  }
  func.func @transform_6(%arg0: i32) -> (i32, i32, i32) {
    %c0_i32 = arith.constant 0 : i32
    %c0_i32_0 = arith.constant 0 : i32
    %c0_i32_1 = arith.constant 0 : i32
    return %arg0, %c0_i32, %c0_i32_0 : i32, i32, i32
  }
}

module attributes {stable_mosaic.version = 14 : i64} {
  func.func @_stage_c(%arg0: i32, %arg1: memref<1x512x512xf32, #tpu.memory_space<vmem>>, %arg2: memref<1024x512xf32, #tpu.memory_space<vmem>>, %arg3: memref<512x512xf32, #tpu.memory_space<vmem>>, %arg4: memref<1x512xf32, #tpu.memory_space<vmem>>, %arg5: memref<512x2xf32, #tpu.memory_space<vmem>>, %arg6: memref<1x2xf32, #tpu.memory_space<vmem>>, %arg7: memref<1x1x1024xf32, #tpu.memory_space<vmem>>, %arg8: memref<1x1x1024xf32, #tpu.memory_space<vmem>>, %arg9: memref<1x1x128xf32, #tpu.memory_space<vmem>>) attributes {dimension_semantics = [#tpu.dimension_semantics<arbitrary>], iteration_bounds = array<i64: 16>, scalar_prefetch = 0 : i64, scratch_operands = 0 : i64, tpu.core_type = #tpu.core_type<tc>, window_params = [{transform_indices = @transform_0, window_bounds = array<i64: 1, 512, 512>}, {transform_indices = @transform_1, window_bounds = array<i64: 1024, 512>}, {pipeline_mode = #tpu.pipeline_mode<synchronous>, transform_indices = @transform_2, window_bounds = array<i64: 512, 512>}, {pipeline_mode = #tpu.pipeline_mode<synchronous>, transform_indices = @transform_3, window_bounds = array<i64: 1, 512>}, {pipeline_mode = #tpu.pipeline_mode<synchronous>, transform_indices = @transform_4, window_bounds = array<i64: 512, 2>}, {pipeline_mode = #tpu.pipeline_mode<synchronous>, transform_indices = @transform_5, window_bounds = array<i64: 1, 2>}, {transform_indices = @transform_6, window_bounds = array<i64: 1, 1, 1024>}, {transform_indices = @transform_7, window_bounds = array<i64: 1, 1, 1024>}, {transform_indices = @transform_8, window_bounds = array<i64: 1, 1, 128>}]} {
    %get3A = arith.constant 0 : index
    %get3A_0 = arith.constant 0 : index
    %get3A_1 = vector.load %arg3[%get3A, %get3A_0] : memref<512x512xf32, #tpu.memory_space<vmem>>, vector<512x512xf32>
    %get3A_2 = arith.constant 0 : index
    %get3A_3 = arith.constant 0 : index
    %get3A_4 = arith.constant 0 : index
    %get3A_5 = vector.load %arg1[%get3A_2, %get3A_3, %get3A_4] : memref<1x512x512xf32, #tpu.memory_space<vmem>>, vector<1x512x512xf32>
    %get3A_6 = vector.shape_cast %get3A_5 : vector<1x512x512xf32> to vector<512x512xf32>
    %concatenate3A = tpu.concatenate %get3A_1, %get3A_6 in 0 : vector<512x512xf32>, vector<512x512xf32> -> vector<1024x512xf32>
    %get3A_7 = arith.constant 0 : index
    %get3A_8 = arith.constant 0 : index
    %get3A_9 = vector.load %arg2[%get3A_7, %get3A_8] : memref<1024x512xf32, #tpu.memory_space<vmem>>, vector<1024x512xf32>
    %add3A = arith.addf %concatenate3A, %get3A_9 : vector<1024x512xf32>
    %get3A_10 = arith.constant 0 : index
    %get3A_11 = arith.constant 0 : index
    %get3A_12 = vector.load %arg4[%get3A_10, %get3A_11] : memref<1x512xf32, #tpu.memory_space<vmem>>, vector<1x512xf32>
    %add3A_13 = vector.broadcast %get3A_12 : vector<1x512xf32> to vector<1024x512xf32>
    %add3A_14 = arith.addf %add3A, %add3A_13 : vector<1024x512xf32>
    %gt3A = arith.constant 0.000000e+00 : f32
    %gt3A_15 = vector.broadcast %gt3A : f32 to vector<1024x512xf32>
    %gt3A_16 = arith.cmpf ogt, %add3A_14, %gt3A_15 : vector<1024x512xf32>
    %min3A = arith.constant 0.000000e+00 : f32
    %min3A_17 = vector.broadcast %min3A : f32 to vector<1024x512xf32>
    %min3A_18 = arith.minimumf %add3A_14, %min3A_17 : vector<1024x512xf32>
    %exp3A = math.exp %min3A_18 : vector<1024x512xf32>
    %sub3A = arith.constant 1.000000e+00 : f32
    %sub3A_19 = vector.broadcast %sub3A : f32 to vector<1024x512xf32>
    %sub3A_20 = arith.subf %exp3A, %sub3A_19 : vector<1024x512xf32>
    %select_n3A = arith.select %gt3A_16, %add3A_14, %sub3A_20 : vector<1024x512xi1>, vector<1024x512xf32>
    %get3A_21 = arith.constant 0 : index
    %get3A_22 = arith.constant 0 : index
    %get3A_23 = vector.load %arg5[%get3A_21, %get3A_22] : memref<512x2xf32, #tpu.memory_space<vmem>>, vector<512x2xf32>
    %dot_general3A = arith.constant dense<0.000000e+00> : vector<1024x2xf32>
    %dot_general3A_24 = tpu.matmul %select_n3A, %get3A_23, %dot_general3A {dimension_numbers = #tpu.dot_dimension_numbers<[1], [0], [0], [1], [0, 0, 1, 1], [], []>, transpose_lhs_hint = false} : vector<1024x512xf32>, vector<512x2xf32>, vector<1024x2xf32> -> vector<1024x2xf32>
    %get3A_25 = arith.constant 0 : index
    %get3A_26 = arith.constant 0 : index
    %get3A_27 = vector.load %arg6[%get3A_25, %get3A_26] : memref<1x2xf32, #tpu.memory_space<vmem>>, vector<1x2xf32>
    %add3A_28 = vector.broadcast %get3A_27 : vector<1x2xf32> to vector<1024x2xf32>
    %add3A_29 = arith.addf %dot_general3A_24, %add3A_28 : vector<1024x2xf32>
    %transpose3A = tpu.transpose %add3A_29, [1, 0] : vector<1024x2xf32> -> vector<2x1024xf32>
    %slice3A = vector.extract_strided_slice %transpose3A {offsets = [0, 0], sizes = [1, 1024], strides = [1, 1]} : vector<2x1024xf32> to vector<1x1024xf32>
    %iota3A = tpu.iota {dimensions = array<i32: 1>} : vector<1x1024xi32>
    %lt3A = arith.constant 1021 : i32
    %lt3A_30 = vector.broadcast %lt3A : i32 to vector<1x1024xi32>
    %lt3A_31 = arith.cmpi slt, %iota3A, %lt3A_30 : vector<1x1024xi32>
    %convert_element_type3A = arith.extui %lt3A_31 : vector<1x1024xi1> to vector<1x1024xi32>
    %convert_element_type3A_32 = arith.sitofp %convert_element_type3A : vector<1x1024xi32> to vector<1x1024xf32>
    %slice3A_33 = vector.extract_strided_slice %transpose3A {offsets = [1, 0], sizes = [1, 1024], strides = [1, 1]} : vector<2x1024xf32> to vector<1x1024xf32>
    %mul3A = arith.mulf %slice3A_33, %convert_element_type3A_32 : vector<1x1024xf32>
    %get3A_34 = arith.constant 0 : index
    %get3A_35 = arith.constant 0 : index
    %get3A_36 = arith.constant 0 : index
    %get3A_37 = vector.load %arg7[%get3A_34, %get3A_35, %get3A_36] : memref<1x1x1024xf32, #tpu.memory_space<vmem>>, vector<1x1x1024xf32>
    %get3A_38 = vector.shape_cast %get3A_37 : vector<1x1x1024xf32> to vector<1x1024xf32>
    %exp3A_39 = math.exp %mul3A : vector<1x1024xf32>
    %mul3A_40 = arith.mulf %get3A_38, %exp3A_39 : vector<1x1024xf32>
    %add3A_41 = arith.addf %mul3A_40, %slice3A : vector<1x1024xf32>
    %sub3A_42 = arith.constant 2.000000e+00 : f32
    %sub3A_43 = vector.broadcast %sub3A_42 : f32 to vector<1x1024xf32>
    %sub3A_44 = arith.subf %add3A_41, %sub3A_43 : vector<1x1024xf32>
    %swap3A = arith.constant 0 : index
    %swap3A_45 = arith.constant 0 : index
    %swap3A_46 = arith.constant 0 : index
    %swap3A_47 = vector.load %arg8[%swap3A, %swap3A_45, %swap3A_46] : memref<1x1x1024xf32, #tpu.memory_space<vmem>>, vector<1x1x1024xf32>
    %swap3A_48 = vector.shape_cast %swap3A_47 : vector<1x1x1024xf32> to vector<1x1024xf32>
    %swap3A_49 = vector.shape_cast %sub3A_44 : vector<1x1024xf32> to vector<1x1x1024xf32>
    tpu.vector_store %arg8[%swap3A, %swap3A_45, %swap3A_46], %swap3A_49 {strides = array<i32>} : memref<1x1x1024xf32, #tpu.memory_space<vmem>>, vector<1x1x1024xf32>,
    %mul3A_50 = arith.constant 5.000000e-01 : f32
    %mul3A_51 = vector.broadcast %mul3A_50 : f32 to vector<1x1024xf32>
    %mul3A_52 = arith.mulf %mul3A_51, %get3A_38 : vector<1x1024xf32>
    %mul3A_53 = arith.mulf %mul3A_52, %get3A_38 : vector<1x1024xf32>
    %sub3A_54 = arith.constant -0.918938517 : f32
    %sub3A_55 = vector.broadcast %sub3A_54 : f32 to vector<1x1024xf32>
    %sub3A_56 = arith.subf %sub3A_55, %mul3A_53 : vector<1x1024xf32>
    %mul3A_57 = arith.mulf %sub3A_56, %convert_element_type3A_32 : vector<1x1024xf32>
    %reduce_sum3A = vector.shape_cast %mul3A_57 : vector<1x1024xf32> to vector<1x1x1024xf32>
    %reduce_sum3A_58 = arith.constant dense<0.000000e+00> : vector<1xf32>
    %reduce_sum3A_59 = vector.multi_reduction <add>, %reduce_sum3A, %reduce_sum3A_58 [1, 2] : vector<1x1x1024xf32> to vector<1xf32>
    %reduce_sum3A_60 = vector.shape_cast %reduce_sum3A_59 : vector<1xf32> to vector<1x1x1xf32>
    %reduce_sum3A_61 = vector.extract %reduce_sum3A_60[0, 0, 0] : f32 from vector<1x1x1xf32>
    %reduce_sum3A_62 = vector.shape_cast %mul3A : vector<1x1024xf32> to vector<1x1x1024xf32>
    %reduce_sum3A_63 = arith.constant dense<0.000000e+00> : vector<1xf32>
    %reduce_sum3A_64 = vector.multi_reduction <add>, %reduce_sum3A_62, %reduce_sum3A_63 [1, 2] : vector<1x1x1024xf32> to vector<1xf32>
    %reduce_sum3A_65 = vector.shape_cast %reduce_sum3A_64 : vector<1xf32> to vector<1x1x1xf32>
    %reduce_sum3A_66 = vector.extract %reduce_sum3A_65[0, 0, 0] : f32 from vector<1x1x1xf32>
    %sub3A_67 = arith.subf %reduce_sum3A_61, %reduce_sum3A_66 : f32
    %broadcast_in_dim3A = vector.broadcast %sub3A_67 : f32 to vector<1x128xf32>
    %swap3A_68 = arith.constant 0 : index
    %swap3A_69 = arith.constant 0 : index
    %swap3A_70 = arith.constant 0 : index
    %swap3A_71 = vector.load %arg9[%swap3A_68, %swap3A_69, %swap3A_70] : memref<1x1x128xf32, #tpu.memory_space<vmem>>, vector<1x1x128xf32>
    %swap3A_72 = vector.shape_cast %swap3A_71 : vector<1x1x128xf32> to vector<1x128xf32>
    %swap3A_73 = vector.shape_cast %broadcast_in_dim3A : vector<1x128xf32> to vector<1x1x128xf32>
    tpu.vector_store %arg9[%swap3A_68, %swap3A_69, %swap3A_70], %swap3A_73 {strides = array<i32>} : memref<1x1x128xf32, #tpu.memory_space<vmem>>, vector<1x1x128xf32>,
    return
  }
  func.func @transform_0(%arg0: i32) -> (i32, i32, i32) {
    %c0_i32 = arith.constant 0 : i32
    %c0_i32_0 = arith.constant 0 : i32
    %c0_i32_1 = arith.constant 0 : i32
    return %arg0, %c0_i32, %c0_i32_0 : i32, i32, i32
  }
  func.func @transform_1(%arg0: i32) -> (i32, i32) {
    %c0_i32 = arith.constant 0 : i32
    %c0_i32_0 = arith.constant 0 : i32
    return %arg0, %c0_i32 : i32, i32
  }
  func.func @transform_2(%arg0: i32) -> (i32, i32) {
    %c0_i32 = arith.constant 0 : i32
    %c0_i32_0 = arith.constant 0 : i32
    %c0_i32_1 = arith.constant 0 : i32
    return %c0_i32, %c0_i32_0 : i32, i32
  }
  func.func @transform_3(%arg0: i32) -> (i32, i32) {
    %c0_i32 = arith.constant 0 : i32
    %c0_i32_0 = arith.constant 0 : i32
    %c0_i32_1 = arith.constant 0 : i32
    return %c0_i32, %c0_i32_0 : i32, i32
  }
  func.func @transform_4(%arg0: i32) -> (i32, i32) {
    %c0_i32 = arith.constant 0 : i32
    %c0_i32_0 = arith.constant 0 : i32
    %c0_i32_1 = arith.constant 0 : i32
    return %c0_i32, %c0_i32_0 : i32, i32
  }
  func.func @transform_5(%arg0: i32) -> (i32, i32) {
    %c0_i32 = arith.constant 0 : i32
    %c0_i32_0 = arith.constant 0 : i32
    %c0_i32_1 = arith.constant 0 : i32
    return %c0_i32, %c0_i32_0 : i32, i32
  }
  func.func @transform_6(%arg0: i32) -> (i32, i32, i32) {
    %c0_i32 = arith.constant 0 : i32
    %c0_i32_0 = arith.constant 0 : i32
    %c0_i32_1 = arith.constant 0 : i32
    return %arg0, %c0_i32, %c0_i32_0 : i32, i32, i32
  }
  func.func @transform_7(%arg0: i32) -> (i32, i32, i32) {
    %c0_i32 = arith.constant 0 : i32
    %c0_i32_0 = arith.constant 0 : i32
    %c0_i32_1 = arith.constant 0 : i32
    return %arg0, %c0_i32, %c0_i32_0 : i32, i32, i32
  }
  func.func @transform_8(%arg0: i32) -> (i32, i32, i32) {
    %c0_i32 = arith.constant 0 : i32
    %c0_i32_0 = arith.constant 0 : i32
    %c0_i32_1 = arith.constant 0 : i32
    return %arg0, %c0_i32, %c0_i32_0 : i32, i32, i32
  }
}

</mosaic_0001>

<sc_bundles>
// kernel: kernel.5.cloned.1.call-start
scs
__scs_entry_jumppad:
0x0: {  	(pc) =	sbr.rel $0x88, $3  }
0x1: {  	(tag) =	ssettag $0x0;
	lr =	simm.s32 $0x1  }
0x2: {  	[smem:$0x3F98] =	sst lr;
	_ =	strace $0xD0000000  }
0x3: {  	_ = 	snop  }
0x4: {  	_ = 	snop  }
0x5: {  	_ = 	snop  }
0x6: {  	_ = 	snop  }
0x7: {  	_ = 	snop  }
__scs_overlays_trampoline_lowered:
0x8: {  	[smem:$0x3FA7] =	sst s0  }
0x9: {  	[smem:$0x3FA8] =	sst s1  }
0xa: {  	[smem:$0x3FA9] =	sst s2  }
0xb: {  	[smem:$0x3FAA] =	sst s3  }
0xc: {  	[smem:$0x3FAB] =	sst s4  }
0xd: {  	[smem:$0x3FAC] =	sst s5  }
0xe: {  	[smem:$0x3FAD] =	sst s6  }
0xf: {  	[smem:$0x3FAE] =	sst s7  }
0x10: {  	[smem:$0x3FAF] =	sst s8  }
0x11: {  	[smem:$0x3FB0] =	sst s9;
	s0 =	simm.s32 @!p0 $0x0  }
0x12: {  	s1 =	sld [smem:$0x3F96];
	s0 =	simm.s32 @p0 $0x1  }
0x13: {  	[smem:$0x3FB1] =	sst s0;
	s0 =	simm.s32 @!p1 $0x0  }
0x14: {  	s2 =	sld [smem:$0x3F95];
	s0 =	simm.s32 @p1 $0x1  }
0x15: {  	[smem:$0x3FB2] =	sst s0;
	s0 =	simm.s32 @!p2 $0x0  }
0x16: {  	s3 =	sld [smem:$0x3FDB];
	s0 =	simm.s32 @p2 $0x1  }
0x17: {  	s4 =	simm.s32 $0x1BF5;
	[smem:$0x3FB4] =	sst s0  }
0x18: {  	s0 =	sld [smem:$0x3F97];
	_ =	swait.ge [sflag:s4], $0x0  }
0x19: {  	s7 =	sld [smem:$0x3F98]  }
0x1a: {  	s8 =	sadd.s32 $0xFFFFE003, lr  }
0x1b: {  	s9 =	sadd.s32 $0xFFFFFEF7, lr;
	s5 =	simm.s32 $0xFFFFFFFF;
	p2 =	slt.u32 s8, $0xFFFFF086  }
0x1c: {  	p1 =	slt.u32 s9, $0xF7A;
	s5 =	simm.s32 @!p2 $0x0  }
0x1d: {  	s5 =	simm.s32 @p1 $0x1;
	p0 =	seq.s32 s7, s2  }
0x1e: {  	s7 =	smul.u32 @!p0 $0xF7A, s2;
	p2 =	seq.s32 @!p0 s5, $0x0  }
0x1f: {  	s9 =	smul.u32 $0xF7A, s1;
	s8 =	simm.s32 @!p0 $0x1BF5;
	p2 =	por !p2, p0  }
0x20: {  	[sflag:s8] =	ssyncset.s32 @!p0 $0xFFFFF086;
	s6 =	sadd.s32 @!p0 s3, s7;
	s7 =	simm.s32 @!p0 $0x108  }
0x21: {  	s3 =	sadd.s32 s3, s9;
	s6 =	sadd.s32 @!p0 $0x88, s6;
	s7 =	simm.s32 @p2 $0x1082  }
0x22: {  	[simem:s7], [sflag:s8] =	dma.local @!p0 [hbm:s6], $0xF7A  }
0x23: {  	s9 =	sor.u32 $0xD0000000, s2;
	s6 =	simm.s32 $0x108;
	_ =	swait.ge @!p0 [sflag:s8], $0x0  }
0x24: {  	s3 =	sadd.s32 $0x88, s3;
	s6 =	simm.s32 @!p1 $0x1082;
	[sflag:s4] =	ssyncset.s32 $0xFFFFF086  }
0x25: {  	[simem:s6], [sflag:s4] =	dma.local [hbm:s3], $0xF7A  }
0x26: {  	[smem:$0x3F98] =	sst s1;
	(tag) =	ssettag s2;
	_ =	strace s9  }
0x27: {  	s1 =	sld [smem:$0x3FA8]  }
0x28: {  	s2 =	sld [smem:$0x3FA9]  }
0x29: {  	s4 =	sld [smem:$0x3FAB]  }
0x2a: {  	p0 =	seq.s32 s5, $0x0;
	s5 =	sld [smem:$0x3FAC]  }
0x2b: {  	s6 =	sld [smem:$0x3FAD]  }
0x2c: {  	s7 =	sld [smem:$0x3FAE]  }
0x2d: {  	s3 =	simm.s32 $0x108;
	s8 =	sld [smem:$0x3FAF]  }
0x2e: {  	s3 =	simm.s32 @!p0 $0x1082;
	s9 =	sld [smem:$0x3FB0]  }
0x2f: {  	lr =	sadd.s32 s0, s3;
	s0 =	sld [smem:$0x3FA7]  }
0x30: {  	s3 =	sld [smem:$0x3FAA]  }
0x31: {  	[smem:$0x3FB3] =	sst s10  }
0x32: {  	s10 =	sld [smem:$0x3FB1];
	_ =	sdelay $0x3  }
0x33: {  	p0 =	seq.s32 s10, $0x1;
	s10 =	sld [smem:$0x3FB3];
	_ =	sdelay $0x3  }
0x34: {  	[smem:$0x3FB3] =	sst s10  }
0x35: {  	s10 =	sld [smem:$0x3FB2];
	_ =	sdelay $0x3  }
0x36: {  	p1 =	seq.s32 s10, $0x1;
	s10 =	sld [smem:$0x3FB3];
	_ =	sdelay $0x3  }
0x37: {  	[smem:$0x3FB3] =	sst s10  }
0x38: {  	s10 =	sld [smem:$0x3FB4]  }
0x39: {  	_ = 	snop;
	(pc) =	sbr.ind lr, $3  }
0x3a: {  	_ = 	snop  }
0x3b: {  	_ = 	snop  }
0x3c: {  	p2 =	seq.s32 s10, $0x1;
	s10 =	sld [smem:$0x3FB3]  }
0x3d: {  	_ =	shalt  }
0x3e: {  	_ =	shalt  }
0x3f: {  	_ =	shalt  }
0x40: {  	_ =	shalt  }
0x41: {  	_ =	shalt  }
0x42: {  	_ =	shalt  }
0x43: {  	_ =	shalt  }
0x44: {  	_ =	shalt  }
0x45: {  	_ =	shalt  }
0x46: {  	_ =	shalt  }
0x47: {  	_ =	shalt  }
0x48: {  	_ =	shalt  }
0x49: {  	_ =	shalt  }
0x4a: {  	_ =	shalt  }
0x4b: {  	_ =	shalt  }
0x4c: {  	_ =	shalt  }
0x4d: {  	_ =	shalt  }
0x4e: {  	_ =	shalt  }
0x4f: {  	_ =	shalt  }
0x50: {  	_ =	shalt  }
0x51: {  	_ =	shalt  }
0x52: {  	_ =	shalt  }
0x53: {  	_ =	shalt  }
0x54: {  	_ =	shalt  }
0x55: {  	_ =	shalt  }
0x56: {  	_ =	shalt  }
0x57: {  	_ =	shalt  }
0x58: {  	_ =	shalt  }
0x59: {  	_ =	shalt  }
0x5a: {  	_ =	shalt  }
0x5b: {  	_ =	shalt  }
0x5c: {  	_ =	shalt  }
0x5d: {  	_ =	shalt  }
0x5e: {  	_ =	shalt  }
0x5f: {  	_ =	shalt  }
0x60: {  	_ =	shalt  }
0x61: {  	_ =	shalt  }
0x62: {  	_ =	shalt  }
0x63: {  	_ =	shalt  }
0x64: {  	_ =	shalt  }
0x65: {  	_ =	shalt  }
0x66: {  	_ =	shalt  }
0x67: {  	_ =	shalt  }
0x68: {  	_ =	shalt  }
0x69: {  	_ =	shalt  }
0x6a: {  	_ =	shalt  }
0x6b: {  	_ =	shalt  }
0x6c: {  	_ =	shalt  }
0x6d: {  	_ =	shalt  }
0x6e: {  	_ =	shalt  }
0x6f: {  	_ =	shalt  }
0x70: {  	_ =	shalt  }
0x71: {  	_ =	shalt  }
0x72: {  	_ =	shalt  }
0x73: {  	_ =	shalt  }
0x74: {  	_ =	shalt  }
0x75: {  	_ =	shalt  }
0x76: {  	_ =	shalt  }
0x77: {  	_ =	shalt  }
0x78: {  	_ =	shalt  }
0x79: {  	_ =	shalt  }
0x7a: {  	_ =	shalt  }
0x7b: {  	_ =	shalt  }
0x7c: {  	_ =	shalt  }
0x7d: {  	_ =	shalt  }
0x7e: {  	_ =	shalt  }
0x7f: {  	_ =	shalt  }
0x80: {  	_ =	shalt  }
0x81: {  	_ =	shalt  }
0x82: {  	_ =	shalt  }
0x83: {  	_ =	shalt  }
0x84: {  	_ =	shalt  }
0x85: {  	_ =	shalt  }
0x86: {  	_ =	shalt  }
0x87: {  	_ =	shalt  }
.Lfunc_end0:
.L_simem_size_0:
called_computation_lowered:
.L_overlay_start_0:
0x88: {  	s2 =	sld [smem:$0x3FD9]  }
0x89: {  	s3 =	sld [smem:$0x3FFE];
	_ =	sdelay $0x1  }
0x8a: {  	s1 =	srdreg.scid  }
0x8b: {  	s0 =	sand.u32 $0x1, s1  }
0x8c: {  	s14 =	sshll.u32 s0, $0xA;
	s2 =	sadd.s32 s3, s2  }
0x8d: {  	s2 =	sadd.s32 s2, s14  }
0x8e: {  	[smem:$0x3FBF] =	sst s2  }
0x8f: {  	_ = 	snop  }
0x90: {  	s2 =	sld [smem:$0x3FD0];
	_ =	sdelay $0x2  }
0x91: {  	s15 =	simm.s32 $0xA;
	s4 =	simm.s32 $0x10  }
0x92: {  	[smem:s4], [sflag:s15] =	dma.local [hbm:s2], $0x1  }
0x93: {  	_ =	swait.eq [sflag:s15], $0x1  }
0x94: {  	[sflag:s15] =	ssyncset.done $0x0  }
0x95: {  	[sflag:s15] =	ssyncadd.s32 $0xFFFFFFFF  }
0x96: {  	s16 =	sld [smem:$0x10];
	(tm) =	ssettm $0x1  }
0x97: {  	s17 =	sld [smem:$0x3FFB];
	_ =	sdelay $0x3  }
0x98: {  	_ =	strace s17  }
0x99: {  	s3 =	sld [smem:$0x3FFC];
	_ =	sdelay $0x3  }
0x9a: {  	_ =	strace s3  }
0x9b: {  	s3 =	sld [smem:$0x3FFD];
	_ =	sdelay $0x3  }
0x9c: {  	_ =	strace s3  }
0x9d: {  	_ =	strace $0x8FFFFFFF  }
0x9e: {  	s18 =	sld [smem:$0x3FDB];
	_ =	sdelay $0x1  }
0x9f: {  	s19 =	simm.s32 $_scs_section_size  }
0xa0: {  	s5 =	simm.s32 $_size__tile_overlayer_lowered;
	s6 =	simm.s32 $_tile_overlayer_lowered  }
0xa1: {  	s22 =	simm.s32 $0x1BFF;
	s21 =	sshll.u32 s6, $0x1;
	s3 =	sadd.s32 s19, s18  }
0xa2: {  	s7 =	simm.s32 $0x0;
	s20 =	sshll.u32 s5, $0x1;
	s5 =	sadd.s32 s21, s3  }
0xa3: {  	[timem:s7], [sflag:s22] =	dma.local [hbm:s5], s20  }
0xa4: {  	_ =	swait.ge [sflag:s22], s20  }
0xa5: {  	s4 =	ssub.s32 $0x0, s20;
	[sflag:s22] =	ssyncset.done $0x0  }
0xa6: {  	[sflag:s22] =	ssyncadd.s32 s4;
	_ =	sdelay $0x1  }
0xa7: {  	s23 =	simm.s32 $0x1B8B  }
0xa8: {  	_ =	swait.ge [sflag:s23], $0x1  }
0xa9: {  	[sflag:s23] =	ssyncset.done $0x0  }
0xaa: {  	s25 =	simm.s32 $0x1B8E;
	s24 =	sld [smem:$0x3FFE];
	[sflag:s23] =	ssyncadd.s32 $0xFFFFFFFF  }
0xab: {  	s26 =	simm.s32 $execute0_lowered;
	[smem:$0x3FD2] =	sst s25  }
0xac: {  	s5 =	sshll.u32 s26, $0x1;
	_ =	strace $0x80000046;
	[dreg:$0x1] =	wrdreg $0xFFFFFFFF  }
0xad: {  	s28 =	simm.s32 $_size_execute0_lowered;
	s3 =	sadd.s32 s3, s5;
	[dreg:$0x0] =	wrdreg $0x0  }
0xae: {  	s5 =	sshll.u32 s28, $0x1;
	[dreg:$0x2] =	wrdreg s3  }
0xaf: {  	[dreg:$0x3] =	wrdreg s5  }
0xb0: {  	[dreg:$0x4] =	wrdreg $0xC0  }
0xb1: {  	_ =	task [dreg:s7], $0x5FFFF  }
0xb2: {  	[dreg:$0x1] =	wrdreg $0xFFFFFFFF  }
0xb3: {  	[dreg:$0x0] =	wrdreg $0x60  }
0xb4: {  	[dreg:$0x2] =	wrdreg s24  }
0xb5: {  	[dreg:$0x3] =	wrdreg s16  }
0xb6: {  	[dreg:$0x4] =	wrdreg $0x9  }
0xb7: {  	_ =	task.clear_ibuf [dreg:s7], $0x5FFFF;
	_ =	strace $0x90000046  }
0xb8: {  	s29 =	simm.s32 $0x9;
	_ =	strace $0x80000048  }
0xb9: {  	_ =	swait.ge [sflag:s29], $0x1  }
0xba: {  	[sflag:s29] =	ssyncadd.s32 $0xFFFFFFFF  }
0xbb: {  	_ =	strace $0x90000048  }
0xbc: {  	_ =	sfence  }
0xbd: {  	s30 =	sld [smem:$0x0];
	_ =	sdelay $0x2  }
0xbe: {  	s31 =	sshll.u32 s1, $0xD;
	s1 =	sshrl.u32 s1, $0x2  }
0xbf: {  	s3 =	sand.u32 $0x4000, s31;
	s1 =	sadd.s32 s1, s30  }
0xc0: {  	s0 =	sor.u32 s3, s0;
	s1 =	sshll.u32 s1, $0x11  }
0xc1: {  	s0 =	sor.u32 s1, s0  }
0xc2: {  	s0 =	sadd.s32 $0x8F2B, s0  }
0xc3: {  	[sflag:s0] =	ssyncadd.remote.s32 $0x1  }
0xc4: {  	_ =	sfence.sel $0xFFFF  }
0xc5: {  	[dreg:$0x0] =	wrdreg $0xFFFFFFFF;
	(pc) =	sbr.abs _section_cstart, $3  }
0xc6: {  	[dreg:$0x1] =	wrdreg $0xFFFFFFFF  }
0xc7: {  	_ =	task.clear_ibuf [dreg:s7], $0x2FFFF;
	_ =	strace $0x9FFFFFFF  }
0xc8: {  	(tm) =	ssettm $0x7FFFFFFF  }
0xc9: {  	_ =	shalt  }
tec
execute0_lowered:
.L_overlay_start_1:
0x0: {  	(tag) =	ssettag $0x1  }
0x1: {  	s0 =	rddreg [dreg:$0x0]  }
0x2: {  	s1 =	rddreg [dreg:$0x1];
	s2 =	simm.s32 $0x0;
	s3 =	srdreg.scid  }
0x3: {  	s7 =	stileid.u32;
	s14 =	simm.s32 $0x1;
	[smem:$0x7FF] =	sst s2  }
0x4: {  	s4 =	sand.u32 $0x1, s3;
	s25 =	sshll.u32 s7, $0x10;
	s7 =	sshll.u32 s7, $0x7  }
0x5: {  	s3 =	sadd.s32 $0x2600, s0;
	s5 =	sshll.u32 s4, $0xF;
	s6 =	sshll.u32 s4, $0x6  }
0x6: {  	_ =	strace $0x80000047;
	s5 =	sor.u32 s5, s25;
	s1 =	sadd.s32 s1, s6  }
0x7: {  	s4 =	ssub.s32 $0x2, s4;
	s5 =	sadd.s32 s5, s0;
	s1 =	sadd.s32 s7, s1  }
0x8: {  	s28 =	sshrl.u32 s4, $0x1;
	[dreg:$0x3] =	wrdreg s1;
	s26 =	sadd.s32 $0x182600, s5  }
0x9: {  	s25 =	simm.s32 $0x200;
	s29 =	sadd.s32 $0x184600, s5;
	[dreg:$0x4] =	wrdreg s26  }
0xa: {  	v2 =	vlaneseq.u32;
	s6 =	ssub.s32 s4, s28;
	s30 =	sadd.s32 $0x186600, s5;
	[dreg:$0x5] =	wrdreg s29  }
0xb: {  	vm0 =	vmmov $0xffff;
	v1 =	vshrl.u32 v2, $0x3;
	s4 =	sadd.s32 $0x2700, s0;
	s31 =	sadd.s32 $0x188600, s5;
	[dreg:$0x6] =	wrdreg s30  }
0xc: {  	v0 =	vand.u32 $0x7, v2;
	v2 =	vor.u32 $0x8, v2;
	v1 =	vmul.u32 $0x8, v1;
	s5 =	smax.u32 s6, $0x1;
	s6 =	simm.s32 $0x2;
	[dreg:$0x7] =	wrdreg s31  }
.LBB2_1:
0xd: {  	s15 =	rddreg [dreg:$0x3]  }
0xe: {  	[tilespmem:s2], [sflag:$0x2] =	stream.linear.gather [hbm4b:s15+s2], $0x200, $0x38;
	[tilespmem:$0x10200] =	vst v63  }
0xf: {  	_ =	swait.ge [sflag:s6], $0x200  }
0x10: {  	[sflag:s6] =	ssyncset.done $0x0  }
0x11: {  	[sflag:s6] =	ssyncadd.s32 $0xFFFFFE00  }
0x12: {  	v3 =	vld [tilespmem:$0x0];
	_ =	sdelay $0x4  }
0x13: {  	v4 =	vshll.u32 v3, $0x2  }
0x14: {  	v3 =	vand.u32 $0x7, v3;
	v4 =	vand.u32 $0xFFFFFFE0, v4  }
0x15: {  	v3 =	vor.u32 v3, v4  }
0x16: {  	v4 =	vperm.xlane v3, v0;
	_ =	sdelay $0x1  }
0x17: {  	v4 =	vadd.s32 v1, v4;
	_ =	sdelay $0x1  }
0x18: {  	v3 =	vperm.xlane v3, v2;
	_ =	sdelay $0x1  }
0x19: {  	v3 =	vadd.s32 v1, v3  }
0x1a: {  	[tilespmem:s25], [sflag:$0x1] =	stream.indirect_vreg.gather [hbm4b:s3+s2], $0x80, v4, vm0, $0xb8;
	[tilespmem:$0x10200] =	vst v63  }
0x1b: {  	s0 =	simm.s32 $0xA00  }
0x1c: {  	[tilespmem:s0], [sflag:$0x1] =	stream.indirect_vreg.gather [hbm4b:s4+s2], $0x80, v4, vm0, $0xb8;
	[tilespmem:$0x10200] =	vst v63  }
0x1d: {  	s7 =	simm.s32 $0x1200  }
0x1e: {  	[tilespmem:s7], [sflag:$0x1] =	stream.indirect_vreg.gather [hbm4b:s3+s2], $0x80, v3, vm0, $0xb8;
	[tilespmem:$0x10200] =	vst v63  }
0x1f: {  	s8 =	simm.s32 $0x1A00  }
0x20: {  	[tilespmem:s8], [sflag:$0x1] =	stream.indirect_vreg.gather [hbm4b:s4+s2], $0x80, v3, vm0, $0xb8;
	[tilespmem:$0x10200] =	vst v63  }
0x21: {  	v3 =	vld [tilespmem:$0x10];
	_ =	sdelay $0x4  }
0x22: {  	v33 =	vshll.u32 v3, $0x2  }
0x23: {  	v3 =	vand.u32 $0x7, v3;
	v4 =	vand.u32 $0xFFFFFFE0, v33  }
0x24: {  	v3 =	vor.u32 v3, v4  }
0x25: {  	v4 =	vperm.xlane v3, v0;
	_ =	sdelay $0x1  }
0x26: {  	v4 =	vadd.s32 v1, v4;
	_ =	sdelay $0x1  }
0x27: {  	v3 =	vperm.xlane v3, v2;
	_ =	sdelay $0x1  }
0x28: {  	s9 =	simm.s32 $0x2200;
	v3 =	vadd.s32 v1, v3  }
0x29: {  	[tilespmem:s9], [sflag:$0x1] =	stream.indirect_vreg.gather [hbm4b:s3+s2], $0x80, v4, vm0, $0xb8;
	[tilespmem:$0x10200] =	vst v63  }
0x2a: {  	s10 =	simm.s32 $0x2A00  }
0x2b: {  	[tilespmem:s10], [sflag:$0x1] =	stream.indirect_vreg.gather [hbm4b:s4+s2], $0x80, v4, vm0, $0xb8;
	[tilespmem:$0x10200] =	vst v63  }
0x2c: {  	s11 =	simm.s32 $0x3200  }
0x2d: {  	[tilespmem:s11], [sflag:$0x1] =	stream.indirect_vreg.gather [hbm4b:s3+s2], $0x80, v3, vm0, $0xb8;
	[tilespmem:$0x10200] =	vst v63  }
0x2e: {  	s12 =	simm.s32 $0x3A00  }
0x2f: {  	[tilespmem:s12], [sflag:$0x1] =	stream.indirect_vreg.gather [hbm4b:s4+s2], $0x80, v3, vm0, $0xb8;
	[tilespmem:$0x10200] =	vst v63  }
0x30: {  	v3 =	vld [tilespmem:$0x20];
	_ =	sdelay $0x4  }
0x31: {  	v34 =	vshll.u32 v3, $0x2  }
0x32: {  	v3 =	vand.u32 $0x7, v3;
	v4 =	vand.u32 $0xFFFFFFE0, v34  }
0x33: {  	v3 =	vor.u32 v3, v4  }
0x34: {  	v4 =	vperm.xlane v3, v0;
	_ =	sdelay $0x1  }
0x35: {  	v4 =	vadd.s32 v1, v4;
	_ =	sdelay $0x1  }
0x36: {  	v3 =	vperm.xlane v3, v2;
	_ =	sdelay $0x1  }
0x37: {  	s13 =	simm.s32 $0x4200;
	v3 =	vadd.s32 v1, v3  }
0x38: {  	[tilespmem:s13], [sflag:$0x1] =	stream.indirect_vreg.gather [hbm4b:s3+s2], $0x80, v4, vm0, $0xb8;
	[tilespmem:$0x10200] =	vst v63  }
0x39: {  	s15 =	simm.s32 $0x4A00  }
0x3a: {  	[tilespmem:s15], [sflag:$0x1] =	stream.indirect_vreg.gather [hbm4b:s4+s2], $0x80, v4, vm0, $0xb8;
	[tilespmem:$0x10200] =	vst v63  }
0x3b: {  	s16 =	simm.s32 $0x5200  }
0x3c: {  	[tilespmem:s16], [sflag:$0x1] =	stream.indirect_vreg.gather [hbm4b:s3+s2], $0x80, v3, vm0, $0xb8;
	[tilespmem:$0x10200] =	vst v63  }
0x3d: {  	s17 =	simm.s32 $0x5A00  }
0x3e: {  	[tilespmem:s17], [sflag:$0x1] =	stream.indirect_vreg.gather [hbm4b:s4+s2], $0x80, v3, vm0, $0xb8;
	[tilespmem:$0x10200] =	vst v63  }
0x3f: {  	v3 =	vld [tilespmem:$0x30];
	_ =	sdelay $0x4  }
0x40: {  	v35 =	vshll.u32 v3, $0x2  }
0x41: {  	v3 =	vand.u32 $0x7, v3;
	v4 =	vand.u32 $0xFFFFFFE0, v35  }
0x42: {  	v3 =	vor.u32 v3, v4  }
0x43: {  	v4 =	vperm.xlane v3, v0;
	_ =	sdelay $0x1  }
0x44: {  	v4 =	vadd.s32 v1, v4;
	_ =	sdelay $0x1  }
0x45: {  	v3 =	vperm.xlane v3, v2;
	_ =	sdelay $0x1  }
0x46: {  	s18 =	simm.s32 $0x6200;
	v3 =	vadd.s32 v1, v3  }
0x47: {  	[tilespmem:s18], [sflag:$0x1] =	stream.indirect_vreg.gather [hbm4b:s3+s2], $0x80, v4, vm0, $0xb8;
	[tilespmem:$0x10200] =	vst v63  }
0x48: {  	s19 =	simm.s32 $0x6A00  }
0x49: {  	[tilespmem:s19], [sflag:$0x1] =	stream.indirect_vreg.gather [hbm4b:s4+s2], $0x80, v4, vm0, $0xb8;
	[tilespmem:$0x10200] =	vst v63  }
0x4a: {  	s20 =	simm.s32 $0x7200  }
0x4b: {  	[tilespmem:s20], [sflag:$0x1] =	stream.indirect_vreg.gather [hbm4b:s3+s2], $0x80, v3, vm0, $0xb8;
	[tilespmem:$0x10200] =	vst v63  }
0x4c: {  	s21 =	simm.s32 $0x7A00  }
0x4d: {  	[tilespmem:s21], [sflag:$0x1] =	stream.indirect_vreg.gather [hbm4b:s4+s2], $0x80, v3, vm0, $0xb8;
	[tilespmem:$0x10200] =	vst v63  }
0x4e: {  	v3 =	vld [tilespmem:$0x40];
	_ =	sdelay $0x4  }
0x4f: {  	v36 =	vshll.u32 v3, $0x2  }
0x50: {  	v3 =	vand.u32 $0x7, v3;
	v4 =	vand.u32 $0xFFFFFFE0, v36  }
0x51: {  	v3 =	vor.u32 v3, v4  }
0x52: {  	v4 =	vperm.xlane v3, v0;
	_ =	sdelay $0x1  }
0x53: {  	v4 =	vadd.s32 v1, v4;
	_ =	sdelay $0x1  }
0x54: {  	v3 =	vperm.xlane v3, v2;
	_ =	sdelay $0x1  }
0x55: {  	s22 =	simm.s32 $0x8200;
	v3 =	vadd.s32 v1, v3  }
0x56: {  	[tilespmem:s22], [sflag:$0x1] =	stream.indirect_vreg.gather [hbm4b:s3+s2], $0x80, v4, vm0, $0xb8;
	[tilespmem:$0x10200] =	vst v63  }
0x57: {  	s23 =	simm.s32 $0x8A00  }
0x58: {  	[tilespmem:s23], [sflag:$0x1] =	stream.indirect_vreg.gather [hbm4b:s4+s2], $0x80, v4, vm0, $0xb8;
	[tilespmem:$0x10200] =	vst v63  }
0x59: {  	s24 =	simm.s32 $0x9200  }
0x5a: {  	[tilespmem:s24], [sflag:$0x1] =	stream.indirect_vreg.gather [hbm4b:s3+s2], $0x80, v3, vm0, $0xb8;
	[tilespmem:$0x10200] =	vst v63  }
0x5b: {  	s26 =	simm.s32 $0x9A00  }
0x5c: {  	[tilespmem:s26], [sflag:$0x1] =	stream.indirect_vreg.gather [hbm4b:s4+s2], $0x80, v3, vm0, $0xb8;
	[tilespmem:$0x10200] =	vst v63  }
0x5d: {  	v3 =	vld [tilespmem:$0x50];
	_ =	sdelay $0x4  }
0x5e: {  	v37 =	vshll.u32 v3, $0x2  }
0x5f: {  	v3 =	vand.u32 $0x7, v3;
	v4 =	vand.u32 $0xFFFFFFE0, v37  }
0x60: {  	v3 =	vor.u32 v3, v4  }
0x61: {  	v4 =	vperm.xlane v3, v0;
	_ =	sdelay $0x1  }
0x62: {  	v4 =	vadd.s32 v1, v4;
	_ =	sdelay $0x1  }
0x63: {  	v3 =	vperm.xlane v3, v2;
	_ =	sdelay $0x1  }
0x64: {  	s28 =	simm.s32 $0xA200;
	v3 =	vadd.s32 v1, v3  }
0x65: {  	[tilespmem:s28], [sflag:$0x1] =	stream.indirect_vreg.gather [hbm4b:s3+s2], $0x80, v4, vm0, $0xb8;
	[tilespmem:$0x10200] =	vst v63  }
0x66: {  	s29 =	simm.s32 $0xAA00  }
0x67: {  	[tilespmem:s29], [sflag:$0x1] =	stream.indirect_vreg.gather [hbm4b:s4+s2], $0x80, v4, vm0, $0xb8;
	[tilespmem:$0x10200] =	vst v63  }
0x68: {  	s30 =	simm.s32 $0xB200  }
0x69: {  	[tilespmem:s30], [sflag:$0x1] =	stream.indirect_vreg.gather [hbm4b:s3+s2], $0x80, v3, vm0, $0xb8;
	[tilespmem:$0x10200] =	vst v63  }
0x6a: {  	s31 =	simm.s32 $0xBA00  }
0x6b: {  	[tilespmem:s31], [sflag:$0x1] =	stream.indirect_vreg.gather [hbm4b:s4+s2], $0x80, v3, vm0, $0xb8;
	[tilespmem:$0x10200] =	vst v63  }
0x6c: {  	v3 =	vld [tilespmem:$0x60];
	_ =	sdelay $0x4  }
0x6d: {  	v38 =	vshll.u32 v3, $0x2  }
0x6e: {  	v3 =	vand.u32 $0x7, v3;
	v4 =	vand.u32 $0xFFFFFFE0, v38  }
0x6f: {  	v3 =	vor.u32 v3, v4  }
0x70: {  	v4 =	vperm.xlane v3, v0;
	_ =	sdelay $0x1  }
0x71: {  	v4 =	vadd.s32 v1, v4;
	_ =	sdelay $0x1  }
0x72: {  	v3 =	vperm.xlane v3, v2;
	_ =	sdelay $0x1  }
0x73: {  	s13 =	simm.s32 $0xC200;
	v3 =	vadd.s32 v1, v3  }
0x74: {  	[tilespmem:s13], [sflag:$0x1] =	stream.indirect_vreg.gather [hbm4b:s3+s2], $0x80, v4, vm0, $0xb8;
	[tilespmem:$0x10200] =	vst v63  }
0x75: {  	s16 =	simm.s32 $0xCA00  }
0x76: {  	[tilespmem:s16], [sflag:$0x1] =	stream.indirect_vreg.gather [hbm4b:s4+s2], $0x80, v4, vm0, $0xb8;
	[tilespmem:$0x10200] =	vst v63  }
0x77: {  	s17 =	simm.s32 $0xD200  }
0x78: {  	[tilespmem:s17], [sflag:$0x1] =	stream.indirect_vreg.gather [hbm4b:s3+s2], $0x80, v3, vm0, $0xb8;
	[tilespmem:$0x10200] =	vst v63  }
0x79: {  	s18 =	simm.s32 $0xDA00  }
0x7a: {  	[tilespmem:s18], [sflag:$0x1] =	stream.indirect_vreg.gather [hbm4b:s4+s2], $0x80, v3, vm0, $0xb8;
	[tilespmem:$0x10200] =	vst v63  }
0x7b: {  	v3 =	vld [tilespmem:$0x70];
	_ =	sdelay $0x4  }
0x7c: {  	v39 =	vshll.u32 v3, $0x2  }
0x7d: {  	v3 =	vand.u32 $0x7, v3;
	v4 =	vand.u32 $0xFFFFFFE0, v39  }
0x7e: {  	v3 =	vor.u32 v3, v4  }
0x7f: {  	v4 =	vperm.xlane v3, v0;
	_ =	sdelay $0x1  }
0x80: {  	v4 =	vadd.s32 v1, v4;
	_ =	sdelay $0x1  }
0x81: {  	v3 =	vperm.xlane v3, v2;
	_ =	sdelay $0x1  }
0x82: {  	s19 =	simm.s32 $0xE200;
	v3 =	vadd.s32 v1, v3  }
0x83: {  	[tilespmem:s19], [sflag:$0x1] =	stream.indirect_vreg.gather [hbm4b:s3+s2], $0x80, v4, vm0, $0xb8;
	[tilespmem:$0x10200] =	vst v63  }
0x84: {  	s20 =	simm.s32 $0xEA00  }
0x85: {  	[tilespmem:s20], [sflag:$0x1] =	stream.indirect_vreg.gather [hbm4b:s4+s2], $0x80, v4, vm0, $0xb8;
	[tilespmem:$0x10200] =	vst v63  }
0x86: {  	s21 =	simm.s32 $0xF200  }
0x87: {  	[tilespmem:s21], [sflag:$0x1] =	stream.indirect_vreg.gather [hbm4b:s3+s2], $0x80, v3, vm0, $0xb8;
	[tilespmem:$0x10200] =	vst v63  }
0x88: {  	s24 =	simm.s32 $0xFA00  }
0x89: {  	[tilespmem:s24], [sflag:$0x1] =	stream.indirect_vreg.gather [hbm4b:s4+s2], $0x80, v3, vm0, $0xb8;
	[tilespmem:$0x10200] =	vst v63  }
0x8a: {  	_ =	swait.ge [sflag:s14], $0x10000  }
0x8b: {  	[sflag:s14] =	ssyncset.done $0x0  }
0x8c: {  	s26 =	rddreg [dreg:$0x4];
	[sflag:s14] =	ssyncadd.s32 $0xFFFF0000  }
0x8d: {  	[hbm4b:s26+s2] =	stream.linear.scatter [tilespmem:s25], [sflag:$0x2], $0x10000, $0x38;
	[tilespmem:$0x10200] =	vst v63  }
0x8e: {  	_ =	swait.ge [sflag:s6], $0x10000  }
0x8f: {  	[sflag:s6] =	ssyncset.done $0x0  }
0x90: {  	[sflag:s6] =	ssyncadd.s32 $0xFFFF0000  }
0x91: {  	v3 =	vld [tilespmem:$0x80];
	_ =	sdelay $0x4  }
0x92: {  	v40 =	vshll.u32 v3, $0x2  }
0x93: {  	v3 =	vand.u32 $0x7, v3;
	v4 =	vand.u32 $0xFFFFFFE0, v40  }
0x94: {  	v3 =	vor.u32 v3, v4  }
0x95: {  	v4 =	vperm.xlane v3, v0;
	_ =	sdelay $0x1  }
0x96: {  	v4 =	vadd.s32 v1, v4;
	_ =	sdelay $0x1  }
0x97: {  	v3 =	vperm.xlane v3, v2;
	_ =	sdelay $0x1  }
0x98: {  	v3 =	vadd.s32 v1, v3  }
0x99: {  	[tilespmem:s25], [sflag:$0x1] =	stream.indirect_vreg.gather [hbm4b:s3+s2], $0x80, v4, vm0, $0xb8;
	[tilespmem:$0x10200] =	vst v63  }
0x9a: {  	s1 =	simm.s32 $0xA00  }
0x9b: {  	[tilespmem:s1], [sflag:$0x1] =	stream.indirect_vreg.gather [hbm4b:s4+s2], $0x80, v4, vm0, $0xb8;
	[tilespmem:$0x10200] =	vst v63  }
0x9c: {  	s7 =	simm.s32 $0x1200  }
0x9d: {  	[tilespmem:s7], [sflag:$0x1] =	stream.indirect_vreg.gather [hbm4b:s3+s2], $0x80, v3, vm0, $0xb8;
	[tilespmem:$0x10200] =	vst v63  }
0x9e: {  	s16 =	simm.s32 $0x1A00  }
0x9f: {  	[tilespmem:s16], [sflag:$0x1] =	stream.indirect_vreg.gather [hbm4b:s4+s2], $0x80, v3, vm0, $0xb8;
	[tilespmem:$0x10200] =	vst v63  }
0xa0: {  	v3 =	vld [tilespmem:$0x90];
	_ =	sdelay $0x4  }
0xa1: {  	v41 =	vshll.u32 v3, $0x2  }
0xa2: {  	v3 =	vand.u32 $0x7, v3;
	v4 =	vand.u32 $0xFFFFFFE0, v41  }
0xa3: {  	v3 =	vor.u32 v3, v4  }
0xa4: {  	v4 =	vperm.xlane v3, v0;
	_ =	sdelay $0x1  }
0xa5: {  	v4 =	vadd.s32 v1, v4;
	_ =	sdelay $0x1  }
0xa6: {  	v3 =	vperm.xlane v3, v2;
	_ =	sdelay $0x1  }
0xa7: {  	s8 =	simm.s32 $0x2200;
	v3 =	vadd.s32 v1, v3  }
0xa8: {  	[tilespmem:s8], [sflag:$0x1] =	stream.indirect_vreg.gather [hbm4b:s3+s2], $0x80, v4, vm0, $0xb8;
	[tilespmem:$0x10200] =	vst v63  }
0xa9: {  	s9 =	simm.s32 $0x2A00  }
0xaa: {  	[tilespmem:s9], [sflag:$0x1] =	stream.indirect_vreg.gather [hbm4b:s4+s2], $0x80, v4, vm0, $0xb8;
	[tilespmem:$0x10200] =	vst v63  }
0xab: {  	s10 =	simm.s32 $0x3200  }
0xac: {  	[tilespmem:s10], [sflag:$0x1] =	stream.indirect_vreg.gather [hbm4b:s3+s2], $0x80, v3, vm0, $0xb8;
	[tilespmem:$0x10200] =	vst v63  }
0xad: {  	s12 =	simm.s32 $0x3A00  }
0xae: {  	[tilespmem:s12], [sflag:$0x1] =	stream.indirect_vreg.gather [hbm4b:s4+s2], $0x80, v3, vm0, $0xb8;
	[tilespmem:$0x10200] =	vst v63  }
0xaf: {  	v3 =	vld [tilespmem:$0xA0];
	_ =	sdelay $0x4  }
0xb0: {  	v42 =	vshll.u32 v3, $0x2  }
0xb1: {  	v3 =	vand.u32 $0x7, v3;
	v4 =	vand.u32 $0xFFFFFFE0, v42  }
0xb2: {  	v3 =	vor.u32 v3, v4  }
0xb3: {  	v4 =	vperm.xlane v3, v0;
	_ =	sdelay $0x1  }
0xb4: {  	v4 =	vadd.s32 v1, v4;
	_ =	sdelay $0x1  }
0xb5: {  	v3 =	vperm.xlane v3, v2;
	_ =	sdelay $0x1  }
0xb6: {  	s11 =	simm.s32 $0x4200;
	v3 =	vadd.s32 v1, v3  }
0xb7: {  	[tilespmem:s11], [sflag:$0x1] =	stream.indirect_vreg.gather [hbm4b:s3+s2], $0x80, v4, vm0, $0xb8;
	[tilespmem:$0x10200] =	vst v63  }
0xb8: {  	s24 =	simm.s32 $0x4A00  }
0xb9: {  	[tilespmem:s24], [sflag:$0x1] =	stream.indirect_vreg.gather [hbm4b:s4+s2], $0x80, v4, vm0, $0xb8;
	[tilespmem:$0x10200] =	vst v63  }
0xba: {  	s12 =	simm.s32 $0x5200  }
0xbb: {  	[tilespmem:s12], [sflag:$0x1] =	stream.indirect_vreg.gather [hbm4b:s3+s2], $0x80, v3, vm0, $0xb8;
	[tilespmem:$0x10200] =	vst v63  }
0xbc: {  	s13 =	simm.s32 $0x5A00  }
0xbd: {  	[tilespmem:s13], [sflag:$0x1] =	stream.indirect_vreg.gather [hbm4b:s4+s2], $0x80, v3, vm0, $0xb8;
	[tilespmem:$0x10200] =	vst v63  }
0xbe: {  	v3 =	vld [tilespmem:$0xB0];
	_ =	sdelay $0x4  }
0xbf: {  	v43 =	vshll.u32 v3, $0x2  }
0xc0: {  	v3 =	vand.u32 $0x7, v3;
	v4 =	vand.u32 $0xFFFFFFE0, v43  }
0xc1: {  	v3 =	vor.u32 v3, v4  }
0xc2: {  	v4 =	vperm.xlane v3, v0;
	_ =	sdelay $0x1  }
0xc3: {  	v4 =	vadd.s32 v1, v4;
	_ =	sdelay $0x1  }
0xc4: {  	v3 =	vperm.xlane v3, v2;
	_ =	sdelay $0x1  }
0xc5: {  	s17 =	simm.s32 $0x6200;
	v3 =	vadd.s32 v1, v3  }
0xc6: {  	[tilespmem:s17], [sflag:$0x1] =	stream.indirect_vreg.gather [hbm4b:s3+s2], $0x80, v4, vm0, $0xb8;
	[tilespmem:$0x10200] =	vst v63  }
0xc7: {  	s18 =	simm.s32 $0x6A00  }
0xc8: {  	[tilespmem:s18], [sflag:$0x1] =	stream.indirect_vreg.gather [hbm4b:s4+s2], $0x80, v4, vm0, $0xb8;
	[tilespmem:$0x10200] =	vst v63  }
0xc9: {  	s19 =	simm.s32 $0x7200  }
0xca: {  	[tilespmem:s19], [sflag:$0x1] =	stream.indirect_vreg.gather [hbm4b:s3+s2], $0x80, v3, vm0, $0xb8;
	[tilespmem:$0x10200] =	vst v63  }
0xcb: {  	s20 =	simm.s32 $0x7A00  }
0xcc: {  	[tilespmem:s20], [sflag:$0x1] =	stream.indirect_vreg.gather [hbm4b:s4+s2], $0x80, v3, vm0, $0xb8;
	[tilespmem:$0x10200] =	vst v63  }
0xcd: {  	v3 =	vld [tilespmem:$0xC0];
	_ =	sdelay $0x4  }
0xce: {  	v44 =	vshll.u32 v3, $0x2  }
0xcf: {  	v3 =	vand.u32 $0x7, v3;
	v4 =	vand.u32 $0xFFFFFFE0, v44  }
0xd0: {  	v3 =	vor.u32 v3, v4  }
0xd1: {  	v4 =	vperm.xlane v3, v0;
	_ =	sdelay $0x1  }
0xd2: {  	v4 =	vadd.s32 v1, v4;
	_ =	sdelay $0x1  }
0xd3: {  	v3 =	vperm.xlane v3, v2;
	_ =	sdelay $0x1  }
0xd4: {  	s0 =	simm.s32 $0x8200;
	v3 =	vadd.s32 v1, v3  }
0xd5: {  	[tilespmem:s0], [sflag:$0x1] =	stream.indirect_vreg.gather [hbm4b:s3+s2], $0x80, v4, vm0, $0xb8;
	[tilespmem:$0x10200] =	vst v63  }
0xd6: {  	s1 =	simm.s32 $0x8A00  }
0xd7: {  	[tilespmem:s1], [sflag:$0x1] =	stream.indirect_vreg.gather [hbm4b:s4+s2], $0x80, v4, vm0, $0xb8;
	[tilespmem:$0x10200] =	vst v63  }
0xd8: {  	s7 =	simm.s32 $0x9200  }
0xd9: {  	[tilespmem:s7], [sflag:$0x1] =	stream.indirect_vreg.gather [hbm4b:s3+s2], $0x80, v3, vm0, $0xb8;
	[tilespmem:$0x10200] =	vst v63  }
0xda: {  	s11 =	simm.s32 $0x9A00  }
0xdb: {  	[tilespmem:s11], [sflag:$0x1] =	stream.indirect_vreg.gather [hbm4b:s4+s2], $0x80, v3, vm0, $0xb8;
	[tilespmem:$0x10200] =	vst v63  }
0xdc: {  	v3 =	vld [tilespmem:$0xD0];
	_ =	sdelay $0x4  }
0xdd: {  	v45 =	vshll.u32 v3, $0x2  }
0xde: {  	v3 =	vand.u32 $0x7, v3;
	v4 =	vand.u32 $0xFFFFFFE0, v45  }
0xdf: {  	v3 =	vor.u32 v3, v4  }
0xe0: {  	v4 =	vperm.xlane v3, v0;
	_ =	sdelay $0x1  }
0xe1: {  	v4 =	vadd.s32 v1, v4;
	_ =	sdelay $0x1  }
0xe2: {  	v3 =	vperm.xlane v3, v2;
	_ =	sdelay $0x1  }
0xe3: {  	s8 =	simm.s32 $0xA200;
	v3 =	vadd.s32 v1, v3  }
0xe4: {  	[tilespmem:s8], [sflag:$0x1] =	stream.indirect_vreg.gather [hbm4b:s3+s2], $0x80, v4, vm0, $0xb8;
	[tilespmem:$0x10200] =	vst v63  }
0xe5: {  	s9 =	simm.s32 $0xAA00  }
0xe6: {  	[tilespmem:s9], [sflag:$0x1] =	stream.indirect_vreg.gather [hbm4b:s4+s2], $0x80, v4, vm0, $0xb8;
	[tilespmem:$0x10200] =	vst v63  }
0xe7: {  	s10 =	simm.s32 $0xB200  }
0xe8: {  	[tilespmem:s10], [sflag:$0x1] =	stream.indirect_vreg.gather [hbm4b:s3+s2], $0x80, v3, vm0, $0xb8;
	[tilespmem:$0x10200] =	vst v63  }
0xe9: {  	s23 =	simm.s32 $0xBA00  }
0xea: {  	[tilespmem:s23], [sflag:$0x1] =	stream.indirect_vreg.gather [hbm4b:s4+s2], $0x80, v3, vm0, $0xb8;
	[tilespmem:$0x10200] =	vst v63  }
0xeb: {  	v3 =	vld [tilespmem:$0xE0];
	_ =	sdelay $0x4  }
0xec: {  	v46 =	vshll.u32 v3, $0x2  }
0xed: {  	v3 =	vand.u32 $0x7, v3;
	v4 =	vand.u32 $0xFFFFFFE0, v46  }
0xee: {  	v3 =	vor.u32 v3, v4  }
0xef: {  	v4 =	vperm.xlane v3, v0;
	_ =	sdelay $0x1  }
0xf0: {  	v4 =	vadd.s32 v1, v4;
	_ =	sdelay $0x1  }
0xf1: {  	v3 =	vperm.xlane v3, v2;
	_ =	sdelay $0x1  }
0xf2: {  	s30 =	simm.s32 $0xC200;
	v3 =	vadd.s32 v1, v3  }
0xf3: {  	[tilespmem:s30], [sflag:$0x1] =	stream.indirect_vreg.gather [hbm4b:s3+s2], $0x80, v4, vm0, $0xb8;
	[tilespmem:$0x10200] =	vst v63  }
0xf4: {  	s28 =	simm.s32 $0xCA00  }
0xf5: {  	[tilespmem:s28], [sflag:$0x1] =	stream.indirect_vreg.gather [hbm4b:s4+s2], $0x80, v4, vm0, $0xb8;
	[tilespmem:$0x10200] =	vst v63  }
0xf6: {  	s29 =	simm.s32 $0xD200  }
0xf7: {  	[tilespmem:s29], [sflag:$0x1] =	stream.indirect_vreg.gather [hbm4b:s3+s2], $0x80, v3, vm0, $0xb8;
	[tilespmem:$0x10200] =	vst v63  }
0xf8: {  	s22 =	simm.s32 $0xDA00  }
0xf9: {  	[tilespmem:s22], [sflag:$0x1] =	stream.indirect_vreg.gather [hbm4b:s4+s2], $0x80, v3, vm0, $0xb8;
	[tilespmem:$0x10200] =	vst v63  }
0xfa: {  	v3 =	vld [tilespmem:$0xF0];
	_ =	sdelay $0x4  }
0xfb: {  	v47 =	vshll.u32 v3, $0x2  }
0xfc: {  	v3 =	vand.u32 $0x7, v3;
	v4 =	vand.u32 $0xFFFFFFE0, v47  }
0xfd: {  	v3 =	vor.u32 v3, v4  }
0xfe: {  	v4 =	vperm.xlane v3, v0;
	_ =	sdelay $0x1  }
0xff: {  	v4 =	vadd.s32 v1, v4;
	_ =	sdelay $0x1  }
0x100: {  	v3 =	vperm.xlane v3, v2;
	_ =	sdelay $0x1  }
0x101: {  	s28 =	simm.s32 $0xE200;
	v3 =	vadd.s32 v1, v3  }
0x102: {  	[tilespmem:s28], [sflag:$0x1] =	stream.indirect_vreg.gather [hbm4b:s3+s2], $0x80, v4, vm0, $0xb8;
	[tilespmem:$0x10200] =	vst v63  }
0x103: {  	s29 =	simm.s32 $0xEA00  }
0x104: {  	[tilespmem:s29], [sflag:$0x1] =	stream.indirect_vreg.gather [hbm4b:s4+s2], $0x80, v4, vm0, $0xb8;
	[tilespmem:$0x10200] =	vst v63  }
0x105: {  	s30 =	simm.s32 $0xF200  }
0x106: {  	[tilespmem:s30], [sflag:$0x1] =	stream.indirect_vreg.gather [hbm4b:s3+s2], $0x80, v3, vm0, $0xb8;
	[tilespmem:$0x10200] =	vst v63  }
0x107: {  	s21 =	simm.s32 $0xFA00  }
0x108: {  	[tilespmem:s21], [sflag:$0x1] =	stream.indirect_vreg.gather [hbm4b:s4+s2], $0x80, v3, vm0, $0xb8;
	[tilespmem:$0x10200] =	vst v63  }
0x109: {  	_ =	swait.ge [sflag:s14], $0x10000  }
0x10a: {  	[sflag:s14] =	ssyncset.done $0x0  }
0x10b: {  	s22 =	rddreg [dreg:$0x5];
	[sflag:s14] =	ssyncadd.s32 $0xFFFF0000  }
0x10c: {  	[hbm4b:s22+s2] =	stream.linear.scatter [tilespmem:s25], [sflag:$0x2], $0x10000, $0x38;
	[tilespmem:$0x10200] =	vst v63  }
0x10d: {  	_ =	swait.ge [sflag:s6], $0x10000  }
0x10e: {  	[sflag:s6] =	ssyncset.done $0x0  }
0x10f: {  	[sflag:s6] =	ssyncadd.s32 $0xFFFF0000  }
0x110: {  	v3 =	vld [tilespmem:$0x100];
	_ =	sdelay $0x4  }
0x111: {  	v48 =	vshll.u32 v3, $0x2  }
0x112: {  	v3 =	vand.u32 $0x7, v3;
	v4 =	vand.u32 $0xFFFFFFE0, v48  }
0x113: {  	v3 =	vor.u32 v3, v4  }
0x114: {  	v4 =	vperm.xlane v3, v0;
	_ =	sdelay $0x1  }
0x115: {  	v4 =	vadd.s32 v1, v4;
	_ =	sdelay $0x1  }
0x116: {  	v3 =	vperm.xlane v3, v2;
	_ =	sdelay $0x1  }
0x117: {  	v3 =	vadd.s32 v1, v3  }
0x118: {  	[tilespmem:s25], [sflag:$0x1] =	stream.indirect_vreg.gather [hbm4b:s3+s2], $0x80, v4, vm0, $0xb8;
	[tilespmem:$0x10200] =	vst v63  }
0x119: {  	s26 =	simm.s32 $0xA00  }
0x11a: {  	[tilespmem:s26], [sflag:$0x1] =	stream.indirect_vreg.gather [hbm4b:s4+s2], $0x80, v4, vm0, $0xb8;
	[tilespmem:$0x10200] =	vst v63  }
0x11b: {  	s26 =	simm.s32 $0x1200  }
0x11c: {  	[tilespmem:s26], [sflag:$0x1] =	stream.indirect_vreg.gather [hbm4b:s3+s2], $0x80, v3, vm0, $0xb8;
	[tilespmem:$0x10200] =	vst v63  }
0x11d: {  	_ = 	snop  }
0x11e: {  	[tilespmem:s16], [sflag:$0x1] =	stream.indirect_vreg.gather [hbm4b:s4+s2], $0x80, v3, vm0, $0xb8;
	[tilespmem:$0x10200] =	vst v63  }
0x11f: {  	v3 =	vld [tilespmem:$0x110];
	_ =	sdelay $0x4  }
0x120: {  	v49 =	vshll.u32 v3, $0x2  }
0x121: {  	v3 =	vand.u32 $0x7, v3;
	v4 =	vand.u32 $0xFFFFFFE0, v49  }
0x122: {  	v3 =	vor.u32 v3, v4  }
0x123: {  	v4 =	vperm.xlane v3, v0;
	_ =	sdelay $0x1  }
0x124: {  	v4 =	vadd.s32 v1, v4;
	_ =	sdelay $0x1  }
0x125: {  	v3 =	vperm.xlane v3, v2;
	_ =	sdelay $0x1  }
0x126: {  	s16 =	simm.s32 $0x2200;
	v3 =	vadd.s32 v1, v3  }
0x127: {  	[tilespmem:s16], [sflag:$0x1] =	stream.indirect_vreg.gather [hbm4b:s3+s2], $0x80, v4, vm0, $0xb8;
	[tilespmem:$0x10200] =	vst v63  }
0x128: {  	s26 =	simm.s32 $0x2A00  }
0x129: {  	[tilespmem:s26], [sflag:$0x1] =	stream.indirect_vreg.gather [hbm4b:s4+s2], $0x80, v4, vm0, $0xb8;
	[tilespmem:$0x10200] =	vst v63  }
0x12a: {  	s16 =	simm.s32 $0x3200  }
0x12b: {  	[tilespmem:s16], [sflag:$0x1] =	stream.indirect_vreg.gather [hbm4b:s3+s2], $0x80, v3, vm0, $0xb8;
	[tilespmem:$0x10200] =	vst v63  }
0x12c: {  	s26 =	simm.s32 $0x3A00  }
0x12d: {  	[tilespmem:s26], [sflag:$0x1] =	stream.indirect_vreg.gather [hbm4b:s4+s2], $0x80, v3, vm0, $0xb8;
	[tilespmem:$0x10200] =	vst v63  }
0x12e: {  	v3 =	vld [tilespmem:$0x120];
	_ =	sdelay $0x4  }
0x12f: {  	v50 =	vshll.u32 v3, $0x2  }
0x130: {  	v3 =	vand.u32 $0x7, v3;
	v4 =	vand.u32 $0xFFFFFFE0, v50  }
0x131: {  	v3 =	vor.u32 v3, v4  }
0x132: {  	v4 =	vperm.xlane v3, v0;
	_ =	sdelay $0x1  }
0x133: {  	v4 =	vadd.s32 v1, v4;
	_ =	sdelay $0x1  }
0x134: {  	v3 =	vperm.xlane v3, v2;
	_ =	sdelay $0x1  }
0x135: {  	s16 =	simm.s32 $0x4200;
	v3 =	vadd.s32 v1, v3  }
0x136: {  	[tilespmem:s16], [sflag:$0x1] =	stream.indirect_vreg.gather [hbm4b:s3+s2], $0x80, v4, vm0, $0xb8;
	[tilespmem:$0x10200] =	vst v63  }
0x137: {  	_ = 	snop  }
0x138: {  	[tilespmem:s24], [sflag:$0x1] =	stream.indirect_vreg.gather [hbm4b:s4+s2], $0x80, v4, vm0, $0xb8;
	[tilespmem:$0x10200] =	vst v63  }
0x139: {  	_ = 	snop  }
0x13a: {  	[tilespmem:s12], [sflag:$0x1] =	stream.indirect_vreg.gather [hbm4b:s3+s2], $0x80, v3, vm0, $0xb8;
	[tilespmem:$0x10200] =	vst v63  }
0x13b: {  	_ = 	snop  }
0x13c: {  	[tilespmem:s13], [sflag:$0x1] =	stream.indirect_vreg.gather [hbm4b:s4+s2], $0x80, v3, vm0, $0xb8;
	[tilespmem:$0x10200] =	vst v63  }
0x13d: {  	v3 =	vld [tilespmem:$0x130];
	_ =	sdelay $0x4  }
0x13e: {  	v51 =	vshll.u32 v3, $0x2  }
0x13f: {  	v3 =	vand.u32 $0x7, v3;
	v4 =	vand.u32 $0xFFFFFFE0, v51  }
0x140: {  	v3 =	vor.u32 v3, v4  }
0x141: {  	v4 =	vperm.xlane v3, v0;
	_ =	sdelay $0x1  }
0x142: {  	v4 =	vadd.s32 v1, v4;
	_ =	sdelay $0x1  }
0x143: {  	v3 =	vperm.xlane v3, v2;
	_ =	sdelay $0x1  }
0x144: {  	v3 =	vadd.s32 v1, v3  }
0x145: {  	[tilespmem:s17], [sflag:$0x1] =	stream.indirect_vreg.gather [hbm4b:s3+s2], $0x80, v4, vm0, $0xb8;
	[tilespmem:$0x10200] =	vst v63  }
0x146: {  	_ = 	snop  }
0x147: {  	[tilespmem:s18], [sflag:$0x1] =	stream.indirect_vreg.gather [hbm4b:s4+s2], $0x80, v4, vm0, $0xb8;
	[tilespmem:$0x10200] =	vst v63  }
0x148: {  	_ = 	snop  }
0x149: {  	[tilespmem:s19], [sflag:$0x1] =	stream.indirect_vreg.gather [hbm4b:s3+s2], $0x80, v3, vm0, $0xb8;
	[tilespmem:$0x10200] =	vst v63  }
0x14a: {  	_ = 	snop  }
0x14b: {  	[tilespmem:s20], [sflag:$0x1] =	stream.indirect_vreg.gather [hbm4b:s4+s2], $0x80, v3, vm0, $0xb8;
	[tilespmem:$0x10200] =	vst v63  }
0x14c: {  	v3 =	vld [tilespmem:$0x140];
	_ =	sdelay $0x4  }
0x14d: {  	v52 =	vshll.u32 v3, $0x2  }
0x14e: {  	v3 =	vand.u32 $0x7, v3;
	v4 =	vand.u32 $0xFFFFFFE0, v52  }
0x14f: {  	v3 =	vor.u32 v3, v4  }
0x150: {  	v4 =	vperm.xlane v3, v0;
	_ =	sdelay $0x1  }
0x151: {  	v4 =	vadd.s32 v1, v4;
	_ =	sdelay $0x1  }
0x152: {  	v3 =	vperm.xlane v3, v2;
	_ =	sdelay $0x1  }
0x153: {  	v3 =	vadd.s32 v1, v3  }
0x154: {  	[tilespmem:s0], [sflag:$0x1] =	stream.indirect_vreg.gather [hbm4b:s3+s2], $0x80, v4, vm0, $0xb8;
	[tilespmem:$0x10200] =	vst v63  }
0x155: {  	_ = 	snop  }
0x156: {  	[tilespmem:s1], [sflag:$0x1] =	stream.indirect_vreg.gather [hbm4b:s4+s2], $0x80, v4, vm0, $0xb8;
	[tilespmem:$0x10200] =	vst v63  }
0x157: {  	_ = 	snop  }
0x158: {  	[tilespmem:s7], [sflag:$0x1] =	stream.indirect_vreg.gather [hbm4b:s3+s2], $0x80, v3, vm0, $0xb8;
	[tilespmem:$0x10200] =	vst v63  }
0x159: {  	_ = 	snop  }
0x15a: {  	[tilespmem:s11], [sflag:$0x1] =	stream.indirect_vreg.gather [hbm4b:s4+s2], $0x80, v3, vm0, $0xb8;
	[tilespmem:$0x10200] =	vst v63  }
0x15b: {  	v3 =	vld [tilespmem:$0x150];
	_ =	sdelay $0x4  }
0x15c: {  	v53 =	vshll.u32 v3, $0x2  }
0x15d: {  	v3 =	vand.u32 $0x7, v3;
	v4 =	vand.u32 $0xFFFFFFE0, v53  }
0x15e: {  	v3 =	vor.u32 v3, v4  }
0x15f: {  	v4 =	vperm.xlane v3, v0;
	_ =	sdelay $0x1  }
0x160: {  	v4 =	vadd.s32 v1, v4;
	_ =	sdelay $0x1  }
0x161: {  	v3 =	vperm.xlane v3, v2;
	_ =	sdelay $0x1  }
0x162: {  	v3 =	vadd.s32 v1, v3  }
0x163: {  	[tilespmem:s8], [sflag:$0x1] =	stream.indirect_vreg.gather [hbm4b:s3+s2], $0x80, v4, vm0, $0xb8;
	[tilespmem:$0x10200] =	vst v63  }
0x164: {  	_ = 	snop  }
0x165: {  	[tilespmem:s9], [sflag:$0x1] =	stream.indirect_vreg.gather [hbm4b:s4+s2], $0x80, v4, vm0, $0xb8;
	[tilespmem:$0x10200] =	vst v63  }
0x166: {  	_ = 	snop  }
0x167: {  	[tilespmem:s10], [sflag:$0x1] =	stream.indirect_vreg.gather [hbm4b:s3+s2], $0x80, v3, vm0, $0xb8;
	[tilespmem:$0x10200] =	vst v63  }
0x168: {  	s26 =	simm.s32 $0xBA00  }
0x169: {  	[tilespmem:s26], [sflag:$0x1] =	stream.indirect_vreg.gather [hbm4b:s4+s2], $0x80, v3, vm0, $0xb8;
	[tilespmem:$0x10200] =	vst v63  }
0x16a: {  	v3 =	vld [tilespmem:$0x160];
	_ =	sdelay $0x4  }
0x16b: {  	v54 =	vshll.u32 v3, $0x2  }
0x16c: {  	v3 =	vand.u32 $0x7, v3;
	v4 =	vand.u32 $0xFFFFFFE0, v54  }
0x16d: {  	v3 =	vor.u32 v3, v4  }
0x16e: {  	v4 =	vperm.xlane v3, v0;
	_ =	sdelay $0x1  }
0x16f: {  	v4 =	vadd.s32 v1, v4;
	_ =	sdelay $0x1  }
0x170: {  	v3 =	vperm.xlane v3, v2;
	_ =	sdelay $0x1  }
0x171: {  	s31 =	simm.s32 $0xC200;
	v3 =	vadd.s32 v1, v3  }
0x172: {  	[tilespmem:s31], [sflag:$0x1] =	stream.indirect_vreg.gather [hbm4b:s3+s2], $0x80, v4, vm0, $0xb8;
	[tilespmem:$0x10200] =	vst v63  }
0x173: {  	s24 =	simm.s32 $0xCA00  }
0x174: {  	[tilespmem:s24], [sflag:$0x1] =	stream.indirect_vreg.gather [hbm4b:s4+s2], $0x80, v4, vm0, $0xb8;
	[tilespmem:$0x10200] =	vst v63  }
0x175: {  	s23 =	simm.s32 $0xD200  }
0x176: {  	[tilespmem:s23], [sflag:$0x1] =	stream.indirect_vreg.gather [hbm4b:s3+s2], $0x80, v3, vm0, $0xb8;
	[tilespmem:$0x10200] =	vst v63  }
0x177: {  	s26 =	simm.s32 $0xDA00  }
0x178: {  	[tilespmem:s26], [sflag:$0x1] =	stream.indirect_vreg.gather [hbm4b:s4+s2], $0x80, v3, vm0, $0xb8;
	[tilespmem:$0x10200] =	vst v63  }
0x179: {  	v3 =	vld [tilespmem:$0x170];
	_ =	sdelay $0x4  }
0x17a: {  	v55 =	vshll.u32 v3, $0x2  }
0x17b: {  	v3 =	vand.u32 $0x7, v3;
	v4 =	vand.u32 $0xFFFFFFE0, v55  }
0x17c: {  	v3 =	vor.u32 v3, v4  }
0x17d: {  	v4 =	vperm.xlane v3, v0;
	_ =	sdelay $0x1  }
0x17e: {  	v4 =	vadd.s32 v1, v4;
	_ =	sdelay $0x1  }
0x17f: {  	v3 =	vperm.xlane v3, v2;
	_ =	sdelay $0x1  }
0x180: {  	s28 =	simm.s32 $0xE200;
	v3 =	vadd.s32 v1, v3  }
0x181: {  	[tilespmem:s28], [sflag:$0x1] =	stream.indirect_vreg.gather [hbm4b:s3+s2], $0x80, v4, vm0, $0xb8;
	[tilespmem:$0x10200] =	vst v63  }
0x182: {  	s29 =	simm.s32 $0xEA00  }
0x183: {  	[tilespmem:s29], [sflag:$0x1] =	stream.indirect_vreg.gather [hbm4b:s4+s2], $0x80, v4, vm0, $0xb8;
	[tilespmem:$0x10200] =	vst v63  }
0x184: {  	s30 =	simm.s32 $0xF200  }
0x185: {  	[tilespmem:s30], [sflag:$0x1] =	stream.indirect_vreg.gather [hbm4b:s3+s2], $0x80, v3, vm0, $0xb8;
	[tilespmem:$0x10200] =	vst v63  }
0x186: {  	s29 =	simm.s32 $0xFA00  }
0x187: {  	[tilespmem:s29], [sflag:$0x1] =	stream.indirect_vreg.gather [hbm4b:s4+s2], $0x80, v3, vm0, $0xb8;
	[tilespmem:$0x10200] =	vst v63  }
0x188: {  	_ =	swait.ge [sflag:s14], $0x10000  }
0x189: {  	[sflag:s14] =	ssyncset.done $0x0  }
0x18a: {  	s30 =	rddreg [dreg:$0x6];
	[sflag:s14] =	ssyncadd.s32 $0xFFFF0000  }
0x18b: {  	[hbm4b:s30+s2] =	stream.linear.scatter [tilespmem:s25], [sflag:$0x2], $0x10000, $0x38;
	[tilespmem:$0x10200] =	vst v63  }
0x18c: {  	_ =	swait.ge [sflag:s6], $0x10000  }
0x18d: {  	[sflag:s6] =	ssyncset.done $0x0  }
0x18e: {  	[sflag:s6] =	ssyncadd.s32 $0xFFFF0000  }
0x18f: {  	v3 =	vld [tilespmem:$0x180];
	_ =	sdelay $0x4  }
0x190: {  	v56 =	vshll.u32 v3, $0x2  }
0x191: {  	v3 =	vand.u32 $0x7, v3;
	v4 =	vand.u32 $0xFFFFFFE0, v56  }
0x192: {  	v3 =	vor.u32 v3, v4  }
0x193: {  	v4 =	vperm.xlane v3, v0;
	_ =	sdelay $0x1  }
0x194: {  	v4 =	vadd.s32 v1, v4;
	_ =	sdelay $0x1  }
0x195: {  	v3 =	vperm.xlane v3, v2;
	_ =	sdelay $0x1  }
0x196: {  	v3 =	vadd.s32 v1, v3  }
0x197: {  	[tilespmem:s25], [sflag:$0x1] =	stream.indirect_vreg.gather [hbm4b:s3+s2], $0x80, v4, vm0, $0xb8;
	[tilespmem:$0x10200] =	vst v63  }
0x198: {  	s22 =	simm.s32 $0xA00  }
0x199: {  	[tilespmem:s22], [sflag:$0x1] =	stream.indirect_vreg.gather [hbm4b:s4+s2], $0x80, v4, vm0, $0xb8;
	[tilespmem:$0x10200] =	vst v63  }
0x19a: {  	s30 =	simm.s32 $0x1200  }
0x19b: {  	[tilespmem:s30], [sflag:$0x1] =	stream.indirect_vreg.gather [hbm4b:s3+s2], $0x80, v3, vm0, $0xb8;
	[tilespmem:$0x10200] =	vst v63  }
0x19c: {  	s21 =	simm.s32 $0x1A00  }
0x19d: {  	[tilespmem:s21], [sflag:$0x1] =	stream.indirect_vreg.gather [hbm4b:s4+s2], $0x80, v3, vm0, $0xb8;
	[tilespmem:$0x10200] =	vst v63  }
0x19e: {  	v3 =	vld [tilespmem:$0x190];
	_ =	sdelay $0x4  }
0x19f: {  	v57 =	vshll.u32 v3, $0x2  }
0x1a0: {  	v3 =	vand.u32 $0x7, v3;
	v4 =	vand.u32 $0xFFFFFFE0, v57  }
0x1a1: {  	v3 =	vor.u32 v3, v4  }
0x1a2: {  	v4 =	vperm.xlane v3, v0;
	_ =	sdelay $0x1  }
0x1a3: {  	v4 =	vadd.s32 v1, v4;
	_ =	sdelay $0x1  }
0x1a4: {  	v3 =	vperm.xlane v3, v2;
	_ =	sdelay $0x1  }
0x1a5: {  	s22 =	simm.s32 $0x2200;
	v3 =	vadd.s32 v1, v3  }
0x1a6: {  	[tilespmem:s22], [sflag:$0x1] =	stream.indirect_vreg.gather [hbm4b:s3+s2], $0x80, v4, vm0, $0xb8;
	[tilespmem:$0x10200] =	vst v63  }
0x1a7: {  	s30 =	simm.s32 $0x2A00  }
0x1a8: {  	[tilespmem:s30], [sflag:$0x1] =	stream.indirect_vreg.gather [hbm4b:s4+s2], $0x80, v4, vm0, $0xb8;
	[tilespmem:$0x10200] =	vst v63  }
0x1a9: {  	s21 =	simm.s32 $0x3200  }
0x1aa: {  	[tilespmem:s21], [sflag:$0x1] =	stream.indirect_vreg.gather [hbm4b:s3+s2], $0x80, v3, vm0, $0xb8;
	[tilespmem:$0x10200] =	vst v63  }
0x1ab: {  	s22 =	simm.s32 $0x3A00  }
0x1ac: {  	[tilespmem:s22], [sflag:$0x1] =	stream.indirect_vreg.gather [hbm4b:s4+s2], $0x80, v3, vm0, $0xb8;
	[tilespmem:$0x10200] =	vst v63  }
0x1ad: {  	v3 =	vld [tilespmem:$0x1A0];
	_ =	sdelay $0x4  }
0x1ae: {  	v58 =	vshll.u32 v3, $0x2  }
0x1af: {  	v3 =	vand.u32 $0x7, v3;
	v4 =	vand.u32 $0xFFFFFFE0, v58  }
0x1b0: {  	v3 =	vor.u32 v3, v4  }
0x1b1: {  	v4 =	vperm.xlane v3, v0;
	_ =	sdelay $0x1  }
0x1b2: {  	v4 =	vadd.s32 v1, v4;
	_ =	sdelay $0x1  }
0x1b3: {  	v3 =	vperm.xlane v3, v2;
	_ =	sdelay $0x1  }
0x1b4: {  	s30 =	simm.s32 $0x4200;
	v3 =	vadd.s32 v1, v3  }
0x1b5: {  	[tilespmem:s30], [sflag:$0x1] =	stream.indirect_vreg.gather [hbm4b:s3+s2], $0x80, v4, vm0, $0xb8;
	[tilespmem:$0x10200] =	vst v63  }
0x1b6: {  	s16 =	simm.s32 $0x4A00  }
0x1b7: {  	[tilespmem:s16], [sflag:$0x1] =	stream.indirect_vreg.gather [hbm4b:s4+s2], $0x80, v4, vm0, $0xb8;
	[tilespmem:$0x10200] =	vst v63  }
0x1b8: {  	s12 =	simm.s32 $0x5200  }
0x1b9: {  	[tilespmem:s12], [sflag:$0x1] =	stream.indirect_vreg.gather [hbm4b:s3+s2], $0x80, v3, vm0, $0xb8;
	[tilespmem:$0x10200] =	vst v63  }
0x1ba: {  	s13 =	simm.s32 $0x5A00  }
0x1bb: {  	[tilespmem:s13], [sflag:$0x1] =	stream.indirect_vreg.gather [hbm4b:s4+s2], $0x80, v3, vm0, $0xb8;
	[tilespmem:$0x10200] =	vst v63  }
0x1bc: {  	v3 =	vld [tilespmem:$0x1B0];
	_ =	sdelay $0x4  }
0x1bd: {  	v59 =	vshll.u32 v3, $0x2  }
0x1be: {  	v3 =	vand.u32 $0x7, v3;
	v4 =	vand.u32 $0xFFFFFFE0, v59  }
0x1bf: {  	v3 =	vor.u32 v3, v4  }
0x1c0: {  	v4 =	vperm.xlane v3, v0;
	_ =	sdelay $0x1  }
0x1c1: {  	v4 =	vadd.s32 v1, v4;
	_ =	sdelay $0x1  }
0x1c2: {  	v3 =	vperm.xlane v3, v2;
	_ =	sdelay $0x1  }
0x1c3: {  	s17 =	simm.s32 $0x6200;
	v3 =	vadd.s32 v1, v3  }
0x1c4: {  	[tilespmem:s17], [sflag:$0x1] =	stream.indirect_vreg.gather [hbm4b:s3+s2], $0x80, v4, vm0, $0xb8;
	[tilespmem:$0x10200] =	vst v63  }
0x1c5: {  	s18 =	simm.s32 $0x6A00  }
0x1c6: {  	[tilespmem:s18], [sflag:$0x1] =	stream.indirect_vreg.gather [hbm4b:s4+s2], $0x80, v4, vm0, $0xb8;
	[tilespmem:$0x10200] =	vst v63  }
0x1c7: {  	s19 =	simm.s32 $0x7200  }
0x1c8: {  	[tilespmem:s19], [sflag:$0x1] =	stream.indirect_vreg.gather [hbm4b:s3+s2], $0x80, v3, vm0, $0xb8;
	[tilespmem:$0x10200] =	vst v63  }
0x1c9: {  	s20 =	simm.s32 $0x7A00  }
0x1ca: {  	[tilespmem:s20], [sflag:$0x1] =	stream.indirect_vreg.gather [hbm4b:s4+s2], $0x80, v3, vm0, $0xb8;
	[tilespmem:$0x10200] =	vst v63  }
0x1cb: {  	v3 =	vld [tilespmem:$0x1C0];
	_ =	sdelay $0x4  }
0x1cc: {  	v60 =	vshll.u32 v3, $0x2  }
0x1cd: {  	v3 =	vand.u32 $0x7, v3;
	v4 =	vand.u32 $0xFFFFFFE0, v60  }
0x1ce: {  	v3 =	vor.u32 v3, v4  }
0x1cf: {  	v4 =	vperm.xlane v3, v0;
	_ =	sdelay $0x1  }
0x1d0: {  	v4 =	vadd.s32 v1, v4;
	_ =	sdelay $0x1  }
0x1d1: {  	v3 =	vperm.xlane v3, v2;
	_ =	sdelay $0x1  }
0x1d2: {  	s0 =	simm.s32 $0x8200;
	v3 =	vadd.s32 v1, v3  }
0x1d3: {  	[tilespmem:s0], [sflag:$0x1] =	stream.indirect_vreg.gather [hbm4b:s3+s2], $0x80, v4, vm0, $0xb8;
	[tilespmem:$0x10200] =	vst v63  }
0x1d4: {  	s1 =	simm.s32 $0x8A00  }
0x1d5: {  	[tilespmem:s1], [sflag:$0x1] =	stream.indirect_vreg.gather [hbm4b:s4+s2], $0x80, v4, vm0, $0xb8;
	[tilespmem:$0x10200] =	vst v63  }
0x1d6: {  	s7 =	simm.s32 $0x9200  }
0x1d7: {  	[tilespmem:s7], [sflag:$0x1] =	stream.indirect_vreg.gather [hbm4b:s3+s2], $0x80, v3, vm0, $0xb8;
	[tilespmem:$0x10200] =	vst v63  }
0x1d8: {  	s11 =	simm.s32 $0x9A00  }
0x1d9: {  	[tilespmem:s11], [sflag:$0x1] =	stream.indirect_vreg.gather [hbm4b:s4+s2], $0x80, v3, vm0, $0xb8;
	[tilespmem:$0x10200] =	vst v63  }
0x1da: {  	v3 =	vld [tilespmem:$0x1D0];
	_ =	sdelay $0x4  }
0x1db: {  	v61 =	vshll.u32 v3, $0x2  }
0x1dc: {  	v3 =	vand.u32 $0x7, v3;
	v4 =	vand.u32 $0xFFFFFFE0, v61  }
0x1dd: {  	v3 =	vor.u32 v3, v4  }
0x1de: {  	v4 =	vperm.xlane v3, v0;
	_ =	sdelay $0x1  }
0x1df: {  	v4 =	vadd.s32 v1, v4;
	_ =	sdelay $0x1  }
0x1e0: {  	v3 =	vperm.xlane v3, v2;
	_ =	sdelay $0x1  }
0x1e1: {  	s8 =	simm.s32 $0xA200;
	v3 =	vadd.s32 v1, v3  }
0x1e2: {  	[tilespmem:s8], [sflag:$0x1] =	stream.indirect_vreg.gather [hbm4b:s3+s2], $0x80, v4, vm0, $0xb8;
	[tilespmem:$0x10200] =	vst v63  }
0x1e3: {  	s9 =	simm.s32 $0xAA00  }
0x1e4: {  	[tilespmem:s9], [sflag:$0x1] =	stream.indirect_vreg.gather [hbm4b:s4+s2], $0x80, v4, vm0, $0xb8;
	[tilespmem:$0x10200] =	vst v63  }
0x1e5: {  	s10 =	simm.s32 $0xB200  }
0x1e6: {  	[tilespmem:s10], [sflag:$0x1] =	stream.indirect_vreg.gather [hbm4b:s3+s2], $0x80, v3, vm0, $0xb8;
	[tilespmem:$0x10200] =	vst v63  }
0x1e7: {  	s21 =	simm.s32 $0xBA00  }
0x1e8: {  	[tilespmem:s21], [sflag:$0x1] =	stream.indirect_vreg.gather [hbm4b:s4+s2], $0x80, v3, vm0, $0xb8;
	[tilespmem:$0x10200] =	vst v63  }
0x1e9: {  	v3 =	vld [tilespmem:$0x1E0];
	_ =	sdelay $0x4  }
0x1ea: {  	v62 =	vshll.u32 v3, $0x2  }
0x1eb: {  	v3 =	vand.u32 $0x7, v3;
	v4 =	vand.u32 $0xFFFFFFE0, v62  }
0x1ec: {  	v3 =	vor.u32 v3, v4  }
0x1ed: {  	v4 =	vperm.xlane v3, v0;
	_ =	sdelay $0x1  }
0x1ee: {  	v4 =	vadd.s32 v1, v4;
	_ =	sdelay $0x1  }
0x1ef: {  	v3 =	vperm.xlane v3, v2;
	_ =	sdelay $0x1  }
0x1f0: {  	s31 =	simm.s32 $0xC200;
	v3 =	vadd.s32 v1, v3  }
0x1f1: {  	[tilespmem:s31], [sflag:$0x1] =	stream.indirect_vreg.gather [hbm4b:s3+s2], $0x80, v4, vm0, $0xb8;
	[tilespmem:$0x10200] =	vst v63  }
0x1f2: {  	s22 =	simm.s32 $0xCA00  }
0x1f3: {  	[tilespmem:s22], [sflag:$0x1] =	stream.indirect_vreg.gather [hbm4b:s4+s2], $0x80, v4, vm0, $0xb8;
	[tilespmem:$0x10200] =	vst v63  }
0x1f4: {  	s24 =	simm.s32 $0xD200  }
0x1f5: {  	[tilespmem:s24], [sflag:$0x1] =	stream.indirect_vreg.gather [hbm4b:s3+s2], $0x80, v3, vm0, $0xb8;
	[tilespmem:$0x10200] =	vst v63  }
0x1f6: {  	s30 =	simm.s32 $0xDA00  }
0x1f7: {  	[tilespmem:s30], [sflag:$0x1] =	stream.indirect_vreg.gather [hbm4b:s4+s2], $0x80, v3, vm0, $0xb8;
	[tilespmem:$0x10200] =	vst v63  }
0x1f8: {  	v3 =	vld [tilespmem:$0x1F0];
	_ =	sdelay $0x4  }
0x1f9: {  	v63 =	vshll.u32 v3, $0x2  }
0x1fa: {  	v3 =	vand.u32 $0x7, v3;
	v4 =	vand.u32 $0xFFFFFFE0, v63  }
0x1fb: {  	v3 =	vor.u32 v3, v4  }
0x1fc: {  	v4 =	vperm.xlane v3, v0;
	_ =	sdelay $0x1  }
0x1fd: {  	v4 =	vadd.s32 v1, v4;
	_ =	sdelay $0x1  }
0x1fe: {  	v3 =	vperm.xlane v3, v2;
	_ =	sdelay $0x1  }
0x1ff: {  	s23 =	simm.s32 $0xE200;
	v3 =	vadd.s32 v1, v3  }
0x200: {  	[tilespmem:s23], [sflag:$0x1] =	stream.indirect_vreg.gather [hbm4b:s3+s2], $0x80, v4, vm0, $0xb8;
	[tilespmem:$0x10200] =	vst v63  }
0x201: {  	s26 =	simm.s32 $0xEA00  }
0x202: {  	[tilespmem:s26], [sflag:$0x1] =	stream.indirect_vreg.gather [hbm4b:s4+s2], $0x80, v4, vm0, $0xb8;
	[tilespmem:$0x10200] =	vst v63  }
0x203: {  	s28 =	simm.s32 $0xF200  }
0x204: {  	[tilespmem:s28], [sflag:$0x1] =	stream.indirect_vreg.gather [hbm4b:s3+s2], $0x80, v3, vm0, $0xb8;
	[tilespmem:$0x10200] =	vst v63  }
0x205: {  	s29 =	simm.s32 $0xFA00  }
0x206: {  	[tilespmem:s29], [sflag:$0x1] =	stream.indirect_vreg.gather [hbm4b:s4+s2], $0x80, v3, vm0, $0xb8;
	[tilespmem:$0x10200] =	vst v63  }
0x207: {  	_ =	swait.ge [sflag:s14], $0x10000  }
0x208: {  	p0 =	sne.s32 s5, $0x1;
	[sflag:s14] =	ssyncset.done $0x0  }
.Ltmp0:
0x209: {  	s31 =	rddreg [dreg:$0x7];
	[sflag:s14] =	ssyncadd.s32 $0xFFFF0000;
	(pc) =	sbr.rel @p0 .LBB2_1-.Ltmp0, $4  }
0x20a: {  	[hbm4b:s31+s2] =	stream.linear.scatter [tilespmem:s25], [sflag:$0x2], $0x10000, $0x38;
	[tilespmem:$0x10200] =	vst v63  }
0x20b: {  	_ =	swait.ge [sflag:s6], $0x10000  }
0x20c: {  	[sflag:s6] =	ssyncset.done $0x0  }
0x20d: {  	s5 =	sadd.s32 $0xFFFFFFFF, s5;
	[sflag:s6] =	ssyncadd.s32 $0xFFFF0000  }
0x20e: {  	_ =	sfence.sel $0x180000  }
0x20f: {  	[bflag:$0x0] =	sbarrier.arrive $0xFFFF  }
0x210: {  	_ =	strace $0x90000047  }
0x211: {  	s0 =	stileid.u32;
	[bflag:$0x2] =	sbarrier.arrive $0xFFFF  }
0x212: {  	p0 =	sne.s32 s0, $0x0;
	s0 =	rddreg [dreg:$0x2]  }
0x213: {  	s0 =	sadd.s32 @!p0 $0x100000, s0  }
0x214: {  	[sflag:s0] =	ssyncadd.tile.s32 @!p0 $0x1;
	_ =	shalt  }
.Lfunc_end2:
_tile_overlayer_lowered:
.L_overlay_start_2:
0x215: {  	(tag) =	ssettag $0x2  }
0x216: {  	s0 =	rddreg [dreg:$0x0];
	s2 =	stileid.u32  }
0x217: {  	s1 =	rddreg [dreg:$0x1];
	p0 =	sne.s32 s2, $0x0  }
0x218: {  	s3 =	rddreg [dreg:$0x2];
	[bflag:$0x3] =	sbarrier.arrive $0xFFFF;
	s2 =	simm.s32 @!p0 $0x1C02  }
0x219: {  	[timem:s3], [sflag:s2] =	dma.local @!p0 [hbm:s0], s1  }
0x21a: {  	s0 =	simm.s32 @!p0 $0x2  }
0x21b: {  	_ =	swait.ge @!p0 [sflag:s0], s1  }
0x21c: {  	s1 =	ssub.s32 @!p0 $0x0, s1;
	[sflag:s0] =	ssyncset.done @!p0 $0x0  }
0x21d: {  	[sflag:s0] =	ssyncadd.s32 @!p0 s1  }
0x21e: {  	[bflag:$0x3] =	sbarrier.arrive $0xFFFF  }
0x21f: {  	_ =	shalt  }

</sc_bundles>
